<compile_context>
chip_gen: v7x
topology: tpu7x:2x2x1
jax: 0.10.2.dev20260603
libtpu: 0.0.44.dev20260713+nightly
codegen_flags: <defaults>
</compile_context>

<pallas_src>
import functools

import jax
import jax.numpy as jnp
from jax import lax
from jax.experimental import pallas as pl
from jax.experimental.pallas import tpu as pltpu
from jax.experimental.pallas import tpu_sc as plsc

_BATCH = 16384
_SEQ = 20
_DIM = 64
_NW = 32
_BG = 128
_GROUPS_PER_W = (_BATCH // _BG) // _NW
_B_PER_W = _BG * _GROUPS_PER_W
_NBLK = _GROUPS_PER_W * _SEQ


def _gather_body(idx_hbm, table_hbm, out_hbm, idx_v, rows_v, trans_v,
                 sem_g, sem_w):
    wid = lax.axis_index("s") * 2 + lax.axis_index("c")

    pltpu.sync_copy(idx_hbm.at[:, pl.ds(wid * _B_PER_W, _B_PER_W)], idx_v)

    iota = lax.iota(jnp.int32, 16)
    b_vecs = [iota + 16 * k for k in range(8)]

    def start_gather(j, buf):
        s, cl = j >> 2, j & 3
        offs = idx_v.at[s, pl.ds(cl * _BG, _BG)]
        return pltpu.async_copy(table_hbm.at[offs], rows_v.at[buf], sem_g)

    def wait_gather(buf):
        pltpu.make_async_copy(
            table_hbm.at[pl.ds(0, _BG)], rows_v.at[buf], sem_g).wait()

    def start_wb(j, buf):
        s, cl = j >> 2, j & 3
        c = wid * _GROUPS_PER_W + cl
        return pltpu.async_copy(
            trans_v.at[buf],
            out_hbm.at[pl.ds(s, 1), pl.ds(0, 8), pl.ds(c, 1)], sem_w)

    def wait_wb(buf):
        pltpu.make_async_copy(
            trans_v.at[buf],
            out_hbm.at[pl.ds(0, 1), pl.ds(0, 8), pl.ds(0, 1)], sem_w).wait()

    zero16 = jnp.full((16,), 0, jnp.int32)

    def transpose(j, buf):
        src = rows_v.at[buf]

        buf_splat = zero16 + buf

        def body(q, carry):
            dlo = (iota + q) & 15
            for m in range(4):
                d_vec = dlo + (16 * m)
                r_vec = d_vec >> 3
                din_vec = d_vec & 7
                for kb in range(8):
                    vals = plsc.load_gather(src, [b_vecs[kb], d_vec])
                    plsc.store_scatter(
                        trans_v,
                        [buf_splat, zero16, r_vec, zero16,
                         din_vec, b_vecs[kb]], vals)
            return carry

        lax.fori_loop(0, 16, body, 0)

    start_gather(0, 0)
    start_gather(1, 1)

    def pair_body(t, carry):
        for buf in (0, 1):
            j = 2 * t + buf
            wait_gather(buf)

            @pl.when(t > 0)
            def _():
                wait_wb(buf)

            transpose(j, buf)

            @pl.when(t < _NBLK // 2 - 1)
            def _():
                start_gather(j + 2, buf)

            start_wb(j, buf)
        return carry

    lax.fori_loop(0, _NBLK // 2, pair_body, 0)
    wait_wb(0)
    wait_wb(1)


_gather = functools.partial(
    pl.kernel,
    mesh=plsc.VectorSubcoreMesh(core_axis_name="c", subcore_axis_name="s"),
    compiler_params=pltpu.CompilerParams(use_tc_tiling_on_sc=True,
                                         needs_layout_passes=False),
    out_type=jax.ShapeDtypeStruct((_SEQ, 8, _BATCH // _BG, 8, _BG),
                                  jnp.float32),
    scratch_types=[
        pltpu.VMEM((_SEQ, _B_PER_W), jnp.int32),
        pltpu.VMEM((2, _BG, 128), jnp.float32),
        pltpu.VMEM((2, 1, 8, 1, 8, _BG), jnp.float32),
        pltpu.SemaphoreType.DMA,
        pltpu.SemaphoreType.DMA,
    ],
)(_gather_body)


@jax.jit
def kernel(indexes, entity_table):
    out5 = _gather(indexes.T, jnp.pad(entity_table, ((0, 0), (0, 64))))
    return out5.transpose(2, 4, 0, 1, 3).reshape(_BATCH, _SEQ, _DIM)

# --- scband reference (transcript-rebuilt; emitter-appended) ---
"""Pipeline reference for scband-pca-reduction-49684181680620 (READ-ONLY COPY).

The authoritative reference and input builder live on the scoring server;
editing this copy changes nothing except your own understanding.
"""

import jax, jax.numpy as jnp
import numpy as np

NUM_ENTITIES = 1000000
ENTITY_DIM = 64

def setup_inputs(seed: int = 0) -> dict:
    key = jax.random.key(seed)
    k1, k2 = jax.random.split(key)
    entity_table = jax.random.normal(k1, (NUM_ENTITIES, ENTITY_DIM), dtype=jnp.float32)
    indexes = jax.random.randint(k2, (16384, 20), 0, NUM_ENTITIES, dtype=jnp.int32)
    return {"indexes": indexes, "entity_table": entity_table}

def reference(indexes, entity_table):
    # PcaReduction.aggregate(target='s'|'o'): out = self._entity_embedder(indexes.long())
    out = jnp.take(entity_table, indexes, axis=0)
    return out

if __name__ == "__main__":
    import jax
    _d = setup_inputs()
    print(jax.jit(kernel)(*tuple(_d.values())))

</pallas_src>

<mosaic_0001>
#map = affine_map<(d0, d1) -> (0, 0)>
#map1 = affine_map<(d0, d1) -> (0, 0, 0, 0, 0)>
module attributes {stable_mosaic.version = 14 : i64} {
  func.func @_gather_body(%arg0: i32, %arg1: i32, %arg2: memref<20x16384xi32, #tpu.memory_space<hbm>>, %arg3: memref<1000000x128xf32, #tpu.memory_space<hbm>>, %arg4: memref<20x8x128x8x128xf32, #tpu.memory_space<hbm>>, %arg5: memref<20x512xi32, #tpu.memory_space<vmem>>, %arg6: memref<2x128x128xf32, #tpu.memory_space<vmem>>, %arg7: memref<2x1x8x1x8x128xf32, #tpu.memory_space<vmem>>, %arg8: memref<!tpu.dma_semaphore, #tpu.memory_space<semaphore_mem>>, %arg9: memref<!tpu.dma_semaphore, #tpu.memory_space<semaphore_mem>>) attributes {dimension_semantics = [#tpu.dimension_semantics<core_parallel>, #tpu.dimension_semantics<subcore_parallel>], iteration_bounds = array<i64: 2, 16>, scalar_prefetch = 0 : i64, scratch_operands = 5 : i64, tpu.core_type = #tpu.core_type<sc_vector_subcore>, window_params = [{transform_indices = #map}, {transform_indices = #map}, {transform_indices = #map1}]} {
    %mul3A = arith.constant 2 : i32
    %mul3A_0 = arith.muli %arg1, %mul3A : i32
    %add3A = arith.addi %mul3A_0, %arg0 : i32
    %mul3A_1 = arith.constant 512 : i32
    %mul3A_2 = arith.muli %add3A, %mul3A_1 : i32
    "tpu.region"() ({
      %run_scoped3A = tpu.sem_alloc : memref<!tpu.dma_semaphore, #tpu.memory_space<semaphore_mem>>
      %dma_start3A_109 = arith.constant 0 : i32
      %dma_start3A_110 = tpu.memref_slice %arg2[%dma_start3A_109, %mul3A_2] : memref<20x16384xi32, #tpu.memory_space<hbm>> -> memref<20x512xi32, #tpu.memory_space<hbm>>
      %dma_start3A_111 = arith.constant 0 : i32
      %dma_start3A_112 = tpu.memref_slice %arg2[%dma_start3A_111, %mul3A_2] : memref<20x16384xi32, #tpu.memory_space<hbm>> -> memref<20x512xi32, #tpu.memory_space<hbm>>
      tpu.enqueue_dma source(%dma_start3A_112 : memref<20x512xi32, #tpu.memory_space<hbm>>) target(%arg5 : memref<20x512xi32, #tpu.memory_space<vmem>>) target_semaphore(%run_scoped3A : memref<!tpu.dma_semaphore, #tpu.memory_space<semaphore_mem>>)
      %dma_wait3A_113 = arith.constant 0 : i32
      %dma_wait3A_114 = tpu.memref_slice %arg2[%dma_wait3A_113, %mul3A_2] : memref<20x16384xi32, #tpu.memory_space<hbm>> -> memref<20x512xi32, #tpu.memory_space<hbm>>
      %dma_wait3A_115 = arith.constant 0 : i32
      %dma_wait3A_116 = tpu.memref_slice %arg2[%dma_wait3A_115, %mul3A_2] : memref<20x16384xi32, #tpu.memory_space<hbm>> -> memref<20x512xi32, #tpu.memory_space<hbm>>
      tpu.wait_dma2 semaphore(%run_scoped3A : memref<!tpu.dma_semaphore, #tpu.memory_space<semaphore_mem>>) src(%dma_wait3A_116 : memref<20x512xi32, #tpu.memory_space<hbm>>) dst(%arg5 : memref<20x512xi32, #tpu.memory_space<vmem>>)
      tpu.yield
    }) : () -> ()
    %iota3A = tpu.iota {dimensions = array<i32: 0>} : vector<16xi32>
    %add3A_3 = arith.constant 0 : i32
    %add3A_4 = vector.broadcast %add3A_3 : i32 to vector<16xi32>
    %add3A_5 = arith.addi %iota3A, %add3A_4 : vector<16xi32>
    %add3A_6 = arith.constant 16 : i32
    %add3A_7 = vector.broadcast %add3A_6 : i32 to vector<16xi32>
    %add3A_8 = arith.addi %iota3A, %add3A_7 : vector<16xi32>
    %add3A_9 = arith.constant 32 : i32
    %add3A_10 = vector.broadcast %add3A_9 : i32 to vector<16xi32>
    %add3A_11 = arith.addi %iota3A, %add3A_10 : vector<16xi32>
    %add3A_12 = arith.constant 48 : i32
    %add3A_13 = vector.broadcast %add3A_12 : i32 to vector<16xi32>
    %add3A_14 = arith.addi %iota3A, %add3A_13 : vector<16xi32>
    %add3A_15 = arith.constant 64 : i32
    %add3A_16 = vector.broadcast %add3A_15 : i32 to vector<16xi32>
    %add3A_17 = arith.addi %iota3A, %add3A_16 : vector<16xi32>
    %add3A_18 = arith.constant 80 : i32
    %add3A_19 = vector.broadcast %add3A_18 : i32 to vector<16xi32>
    %add3A_20 = arith.addi %iota3A, %add3A_19 : vector<16xi32>
    %add3A_21 = arith.constant 96 : i32
    %add3A_22 = vector.broadcast %add3A_21 : i32 to vector<16xi32>
    %add3A_23 = arith.addi %iota3A, %add3A_22 : vector<16xi32>
    %add3A_24 = arith.constant 112 : i32
    %add3A_25 = vector.broadcast %add3A_24 : i32 to vector<16xi32>
    %add3A_26 = arith.addi %iota3A, %add3A_25 : vector<16xi32>
    %broadcast_in_dim3A = arith.constant 0 : i32
    %broadcast_in_dim3A_27 = vector.broadcast %broadcast_in_dim3A : i32 to vector<16xi32>
    %dma_start3A = arith.constant 0 : i32
    %dma_start3A_28 = arith.constant 0 : i32
    %dma_start3A_29 = arith.constant 0 : i32
    %dma_start3A_30 = arith.constant 0 : i32
    %dma_start3A_31 = tpu.memref_slice %arg6[%dma_start3A_28, %dma_start3A_29, %dma_start3A_30] : memref<2x128x128xf32, #tpu.memory_space<vmem>> -> memref<1x128x128xf32, #tpu.memory_space<vmem>>
    %dma_start3A_32 = tpu.memref_squeeze %dma_start3A_31 : memref<1x128x128xf32, #tpu.memory_space<vmem>> -> memref<128x128xf32, #tpu.memory_space<vmem>>
    %dma_start3A_33 = arith.constant 0 : i32
    %dma_start3A_34 = tpu.memref_slice %arg5[%dma_start3A, %dma_start3A_33] : memref<20x512xi32, #tpu.memory_space<vmem>> -> memref<1x128xi32, #tpu.memory_space<vmem>>
    %dma_start3A_35 = tpu.memref_squeeze %dma_start3A_34 : memref<1x128xi32, #tpu.memory_space<vmem>> -> memref<128xi32, #tpu.memory_space<vmem>>
    %dma_start3A_36 = arith.constant 0 : i32
    %dma_start3A_37 = arith.constant 0 : i32
    %dma_start3A_38 = tpu.memref_slice %arg3[%dma_start3A_36, %dma_start3A_37] : memref<1000000x128xf32, #tpu.memory_space<hbm>> -> memref<1000000x128xf32, #tpu.memory_space<hbm>>
    tpu.enqueue_indirect_dma source(%dma_start3A_38 : memref<1000000x128xf32, #tpu.memory_space<hbm>>) target(%dma_start3A_32 : memref<128x128xf32, #tpu.memory_space<vmem>>) offsets(%dma_start3A_35 : memref<128xi32, #tpu.memory_space<vmem>>) semaphore(%arg8 : memref<!tpu.dma_semaphore, #tpu.memory_space<semaphore_mem>>)
    %dma_start3A_39 = arith.constant 0 : i32
    %dma_start3A_40 = arith.constant 1 : i32
    %dma_start3A_41 = arith.constant 0 : i32
    %dma_start3A_42 = arith.constant 0 : i32
    %dma_start3A_43 = tpu.memref_slice %arg6[%dma_start3A_40, %dma_start3A_41, %dma_start3A_42] : memref<2x128x128xf32, #tpu.memory_space<vmem>> -> memref<1x128x128xf32, #tpu.memory_space<vmem>>
    %dma_start3A_44 = tpu.memref_squeeze %dma_start3A_43 : memref<1x128x128xf32, #tpu.memory_space<vmem>> -> memref<128x128xf32, #tpu.memory_space<vmem>>
    %dma_start3A_45 = arith.constant 128 : i32
    %dma_start3A_46 = tpu.memref_slice %arg5[%dma_start3A_39, %dma_start3A_45] : memref<20x512xi32, #tpu.memory_space<vmem>> -> memref<1x128xi32, #tpu.memory_space<vmem>>
    %dma_start3A_47 = tpu.memref_squeeze %dma_start3A_46 : memref<1x128xi32, #tpu.memory_space<vmem>> -> memref<128xi32, #tpu.memory_space<vmem>>
    %dma_start3A_48 = arith.constant 0 : i32
    %dma_start3A_49 = arith.constant 0 : i32
    %dma_start3A_50 = tpu.memref_slice %arg3[%dma_start3A_48, %dma_start3A_49] : memref<1000000x128xf32, #tpu.memory_space<hbm>> -> memref<1000000x128xf32, #tpu.memory_space<hbm>>
    tpu.enqueue_indirect_dma source(%dma_start3A_50 : memref<1000000x128xf32, #tpu.memory_space<hbm>>) target(%dma_start3A_44 : memref<128x128xf32, #tpu.memory_space<vmem>>) offsets(%dma_start3A_47 : memref<128xi32, #tpu.memory_space<vmem>>) semaphore(%arg8 : memref<!tpu.dma_semaphore, #tpu.memory_space<semaphore_mem>>)
    %scan3A = arith.constant 0 : i32
    %scan3A_51 = arith.constant 0 : i32
    %scan3A_52 = arith.constant 40 : i32
    %scan3A_53 = arith.addi %scan3A_51, %scan3A_52 : i32
    %scan3A_54 = arith.constant 1 : i32
    scf.for %scan3A_109 = %scan3A_51 to %scan3A_53 step %scan3A_54  : i32 {
      %mul3A_110 = arith.constant 2 : i32
      %mul3A_111 = arith.muli %mul3A_110, %scan3A_109 : i32
      %add3A_112 = arith.constant 0 : i32
      %add3A_113 = arith.addi %mul3A_111, %add3A_112 : i32
      %dma_wait3A_114 = arith.constant 0 : i32
      %dma_wait3A_115 = arith.constant 0 : i32
      %dma_wait3A_116 = arith.constant 0 : i32
      %dma_wait3A_117 = tpu.memref_slice %arg6[%dma_wait3A_114, %dma_wait3A_115, %dma_wait3A_116] : memref<2x128x128xf32, #tpu.memory_space<vmem>> -> memref<1x128x128xf32, #tpu.memory_space<vmem>>
      %dma_wait3A_118 = tpu.memref_squeeze %dma_wait3A_117 : memref<1x128x128xf32, #tpu.memory_space<vmem>> -> memref<128x128xf32, #tpu.memory_space<vmem>>
      %dma_wait3A_119 = arith.constant 0 : i32
      %dma_wait3A_120 = arith.constant 0 : i32
      %dma_wait3A_121 = tpu.memref_slice %arg3[%dma_wait3A_119, %dma_wait3A_120] : memref<1000000x128xf32, #tpu.memory_space<hbm>> -> memref<128x128xf32, #tpu.memory_space<hbm>>
      %dma_wait3A_122 = arith.constant 0 : i32
      %dma_wait3A_123 = arith.constant 0 : i32
      %dma_wait3A_124 = tpu.memref_slice %arg6[%dma_wait3A_114, %dma_wait3A_122, %dma_wait3A_123] : memref<2x128x128xf32, #tpu.memory_space<vmem>> -> memref<1x128x128xf32, #tpu.memory_space<vmem>>
      %dma_wait3A_125 = tpu.memref_squeeze %dma_wait3A_124 : memref<1x128x128xf32, #tpu.memory_space<vmem>> -> memref<128x128xf32, #tpu.memory_space<vmem>>
      %dma_wait3A_126 = arith.constant 0 : i32
      %dma_wait3A_127 = arith.constant 0 : i32
      %dma_wait3A_128 = tpu.memref_slice %arg3[%dma_wait3A_126, %dma_wait3A_127] : memref<1000000x128xf32, #tpu.memory_space<hbm>> -> memref<128x128xf32, #tpu.memory_space<hbm>>
      tpu.wait_dma2 semaphore(%arg8 : memref<!tpu.dma_semaphore, #tpu.memory_space<semaphore_mem>>) src(%dma_wait3A_128 : memref<128x128xf32, #tpu.memory_space<hbm>>) dst(%dma_wait3A_125 : memref<128x128xf32, #tpu.memory_space<vmem>>)
      %gt3A = arith.constant 0 : i32
      %gt3A_129 = arith.cmpi sgt, %scan3A_109, %gt3A : i32
      %convert_element_type3A = arith.extui %gt3A_129 : i1 to i32
      %cond3A = arith.constant 0 : i32
      %cond3A_130 = arith.cmpi ne, %convert_element_type3A, %cond3A : i32
      scf.if %cond3A_130 {
        %dma_wait3A_242 = arith.constant 0 : i32
        %dma_wait3A_243 = arith.constant 0 : i32
        %dma_wait3A_244 = arith.constant 0 : i32
        %dma_wait3A_245 = arith.constant 0 : i32
        %dma_wait3A_246 = arith.constant 0 : i32
        %dma_wait3A_247 = arith.constant 0 : i32
        %dma_wait3A_248 = tpu.memref_slice %arg7[%dma_wait3A_242, %dma_wait3A_243, %dma_wait3A_244, %dma_wait3A_245, %dma_wait3A_246, %dma_wait3A_247] : memref<2x1x8x1x8x128xf32, #tpu.memory_space<vmem>> -> memref<1x1x8x1x8x128xf32, #tpu.memory_space<vmem>>
        %dma_wait3A_249 = tpu.memref_squeeze %dma_wait3A_248 : memref<1x1x8x1x8x128xf32, #tpu.memory_space<vmem>> -> memref<1x8x1x8x128xf32, #tpu.memory_space<vmem>>
        %dma_wait3A_250 = arith.constant 0 : i32
        %dma_wait3A_251 = arith.constant 0 : i32
        %dma_wait3A_252 = arith.constant 0 : i32
        %dma_wait3A_253 = arith.constant 0 : i32
        %dma_wait3A_254 = arith.constant 0 : i32
        %dma_wait3A_255 = tpu.memref_slice %arg4[%dma_wait3A_250, %dma_wait3A_251, %dma_wait3A_252, %dma_wait3A_253, %dma_wait3A_254] : memref<20x8x128x8x128xf32, #tpu.memory_space<hbm>> -> memref<1x8x1x8x128xf32, #tpu.memory_space<hbm>>
        %dma_wait3A_256 = arith.constant 0 : i32
        %dma_wait3A_257 = arith.constant 0 : i32
        %dma_wait3A_258 = arith.constant 0 : i32
        %dma_wait3A_259 = arith.constant 0 : i32
        %dma_wait3A_260 = arith.constant 0 : i32
        %dma_wait3A_261 = tpu.memref_slice %arg4[%dma_wait3A_256, %dma_wait3A_257, %dma_wait3A_258, %dma_wait3A_259, %dma_wait3A_260] : memref<20x8x128x8x128xf32, #tpu.memory_space<hbm>> -> memref<1x8x1x8x128xf32, #tpu.memory_space<hbm>>
        %dma_wait3A_262 = arith.constant 0 : i32
        %dma_wait3A_263 = arith.constant 0 : i32
        %dma_wait3A_264 = arith.constant 0 : i32
        %dma_wait3A_265 = arith.constant 0 : i32
        %dma_wait3A_266 = arith.constant 0 : i32
        %dma_wait3A_267 = tpu.memref_slice %arg7[%dma_wait3A_242, %dma_wait3A_262, %dma_wait3A_263, %dma_wait3A_264, %dma_wait3A_265, %dma_wait3A_266] : memref<2x1x8x1x8x128xf32, #tpu.memory_space<vmem>> -> memref<1x1x8x1x8x128xf32, #tpu.memory_space<vmem>>
        %dma_wait3A_268 = tpu.memref_squeeze %dma_wait3A_267 : memref<1x1x8x1x8x128xf32, #tpu.memory_space<vmem>> -> memref<1x8x1x8x128xf32, #tpu.memory_space<vmem>>
        tpu.wait_dma2 semaphore(%arg9 : memref<!tpu.dma_semaphore, #tpu.memory_space<semaphore_mem>>) src(%dma_wait3A_268 : memref<1x8x1x8x128xf32, #tpu.memory_space<vmem>>) dst(%dma_wait3A_261 : memref<1x8x1x8x128xf32, #tpu.memory_space<hbm>>)
      } else {
      }
      %add3A_131 = arith.constant 0 : i32
      %add3A_132 = vector.broadcast %add3A_131 : i32 to vector<16xi32>
      %add3A_133 = arith.addi %broadcast_in_dim3A_27, %add3A_132 : vector<16xi32>
      %scan3A_134 = arith.constant 0 : i32
      %scan3A_135 = arith.constant 0 : i32
      %scan3A_136 = arith.constant 0 : i32
      %scan3A_137 = arith.constant 16 : i32
      %scan3A_138 = arith.addi %scan3A_136, %scan3A_137 : i32
      %scan3A_139 = arith.constant 1 : i32
      scf.for %scan3A_242 = %scan3A_136 to %scan3A_138 step %scan3A_139  : i32 {
        %add3A_243 = vector.broadcast %scan3A_242 : i32 to vector<16xi32>
        %add3A_244 = arith.addi %iota3A, %add3A_243 : vector<16xi32>
        %and3A_245 = arith.constant 15 : i32
        %and3A_246 = vector.broadcast %and3A_245 : i32 to vector<16xi32>
        %and3A_247 = arith.andi %add3A_244, %and3A_246 : vector<16xi32>
        %add3A_248 = arith.constant 0 : i32
        %add3A_249 = vector.broadcast %add3A_248 : i32 to vector<16xi32>
        %add3A_250 = arith.addi %and3A_247, %add3A_249 : vector<16xi32>
        %shift_right_arithmetic3A_251 = arith.constant 3 : i32
        %shift_right_arithmetic3A_252 = vector.broadcast %shift_right_arithmetic3A_251 : i32 to vector<16xi32>
        %shift_right_arithmetic3A_253 = arith.shrsi %add3A_250, %shift_right_arithmetic3A_252 : vector<16xi32>
        %and3A_254 = arith.constant 7 : i32
        %and3A_255 = vector.broadcast %and3A_254 : i32 to vector<16xi32>
        %and3A_256 = arith.andi %add3A_250, %and3A_255 : vector<16xi32>
        %gather3A = arith.constant 0 : i32
        %gather3A_257 = arith.constant 0 : i32
        %gather3A_258 = tpu.memref_slice %arg6[%scan3A_135, %gather3A, %gather3A_257] : memref<2x128x128xf32, #tpu.memory_space<vmem>> -> memref<1x128x128xf32, #tpu.memory_space<vmem>>
        %gather3A_259 = tpu.memref_squeeze %gather3A_258 : memref<1x128x128xf32, #tpu.memory_space<vmem>> -> memref<128x128xf32, #tpu.memory_space<vmem>>
        %gather3A_260 = tpu.vector_load_idx %gather3A_259[%add3A_5, %add3A_250] : memref<128x128xf32, #tpu.memory_space<vmem>>[vector<16xi32>, vector<16xi32>], vector<16xf32>,
        tpu.vector_store_idx %arg7[%add3A_133, %broadcast_in_dim3A_27, %shift_right_arithmetic3A_253, %broadcast_in_dim3A_27, %and3A_256, %add3A_5], %gather3A_260 : memref<2x1x8x1x8x128xf32, #tpu.memory_space<vmem>>[vector<16xi32>, vector<16xi32>, vector<16xi32>, vector<16xi32>, vector<16xi32>, vector<16xi32>], vector<16xf32>,
        %gather3A_261 = arith.constant 0 : i32
        %gather3A_262 = arith.constant 0 : i32
        %gather3A_263 = tpu.memref_slice %arg6[%scan3A_135, %gather3A_261, %gather3A_262] : memref<2x128x128xf32, #tpu.memory_space<vmem>> -> memref<1x128x128xf32, #tpu.memory_space<vmem>>
        %gather3A_264 = tpu.memref_squeeze %gather3A_263 : memref<1x128x128xf32, #tpu.memory_space<vmem>> -> memref<128x128xf32, #tpu.memory_space<vmem>>
        %gather3A_265 = tpu.vector_load_idx %gather3A_264[%add3A_8, %add3A_250] : memref<128x128xf32, #tpu.memory_space<vmem>>[vector<16xi32>, vector<16xi32>], vector<16xf32>,
        tpu.vector_store_idx %arg7[%add3A_133, %broadcast_in_dim3A_27, %shift_right_arithmetic3A_253, %broadcast_in_dim3A_27, %and3A_256, %add3A_8], %gather3A_265 : memref<2x1x8x1x8x128xf32, #tpu.memory_space<vmem>>[vector<16xi32>, vector<16xi32>, vector<16xi32>, vector<16xi32>, vector<16xi32>, vector<16xi32>], vector<16xf32>,
        %gather3A_266 = arith.constant 0 : i32
        %gather3A_267 = arith.constant 0 : i32
        %gather3A_268 = tpu.memref_slice %arg6[%scan3A_135, %gather3A_266, %gather3A_267] : memref<2x128x128xf32, #tpu.memory_space<vmem>> -> memref<1x128x128xf32, #tpu.memory_space<vmem>>
        %gather3A_269 = tpu.memref_squeeze %gather3A_268 : memref<1x128x128xf32, #tpu.memory_space<vmem>> -> memref<128x128xf32, #tpu.memory_space<vmem>>
        %gather3A_270 = tpu.vector_load_idx %gather3A_269[%add3A_11, %add3A_250] : memref<128x128xf32, #tpu.memory_space<vmem>>[vector<16xi32>, vector<16xi32>], vector<16xf32>,
        tpu.vector_store_idx %arg7[%add3A_133, %broadcast_in_dim3A_27, %shift_right_arithmetic3A_253, %broadcast_in_dim3A_27, %and3A_256, %add3A_11], %gather3A_270 : memref<2x1x8x1x8x128xf32, #tpu.memory_space<vmem>>[vector<16xi32>, vector<16xi32>, vector<16xi32>, vector<16xi32>, vector<16xi32>, vector<16xi32>], vector<16xf32>,
        %gather3A_271 = arith.constant 0 : i32
        %gather3A_272 = arith.constant 0 : i32
        %gather3A_273 = tpu.memref_slice %arg6[%scan3A_135, %gather3A_271, %gather3A_272] : memref<2x128x128xf32, #tpu.memory_space<vmem>> -> memref<1x128x128xf32, #tpu.memory_space<vmem>>
        %gather3A_274 = tpu.memref_squeeze %gather3A_273 : memref<1x128x128xf32, #tpu.memory_space<vmem>> -> memref<128x128xf32, #tpu.memory_space<vmem>>
        %gather3A_275 = tpu.vector_load_idx %gather3A_274[%add3A_14, %add3A_250] : memref<128x128xf32, #tpu.memory_space<vmem>>[vector<16xi32>, vector<16xi32>], vector<16xf32>,
        tpu.vector_store_idx %arg7[%add3A_133, %broadcast_in_dim3A_27, %shift_right_arithmetic3A_253, %broadcast_in_dim3A_27, %and3A_256, %add3A_14], %gather3A_275 : memref<2x1x8x1x8x128xf32, #tpu.memory_space<vmem>>[vector<16xi32>, vector<16xi32>, vector<16xi32>, vector<16xi32>, vector<16xi32>, vector<16xi32>], vector<16xf32>,
        %gather3A_276 = arith.constant 0 : i32
        %gather3A_277 = arith.constant 0 : i32
        %gather3A_278 = tpu.memref_slice %arg6[%scan3A_135, %gather3A_276, %gather3A_277] : memref<2x128x128xf32, #tpu.memory_space<vmem>> -> memref<1x128x128xf32, #tpu.memory_space<vmem>>
        %gather3A_279 = tpu.memref_squeeze %gather3A_278 : memref<1x128x128xf32, #tpu.memory_space<vmem>> -> memref<128x128xf32, #tpu.memory_space<vmem>>
        %gather3A_280 = tpu.vector_load_idx %gather3A_279[%add3A_17, %add3A_250] : memref<128x128xf32, #tpu.memory_space<vmem>>[vector<16xi32>, vector<16xi32>], vector<16xf32>,
        tpu.vector_store_idx %arg7[%add3A_133, %broadcast_in_dim3A_27, %shift_right_arithmetic3A_253, %broadcast_in_dim3A_27, %and3A_256, %add3A_17], %gather3A_280 : memref<2x1x8x1x8x128xf32, #tpu.memory_space<vmem>>[vector<16xi32>, vector<16xi32>, vector<16xi32>, vector<16xi32>, vector<16xi32>, vector<16xi32>], vector<16xf32>,
        %gather3A_281 = arith.constant 0 : i32
        %gather3A_282 = arith.constant 0 : i32
        %gather3A_283 = tpu.memref_slice %arg6[%scan3A_135, %gather3A_281, %gather3A_282] : memref<2x128x128xf32, #tpu.memory_space<vmem>> -> memref<1x128x128xf32, #tpu.memory_space<vmem>>
        %gather3A_284 = tpu.memref_squeeze %gather3A_283 : memref<1x128x128xf32, #tpu.memory_space<vmem>> -> memref<128x128xf32, #tpu.memory_space<vmem>>
        %gather3A_285 = tpu.vector_load_idx %gather3A_284[%add3A_20, %add3A_250] : memref<128x128xf32, #tpu.memory_space<vmem>>[vector<16xi32>, vector<16xi32>], vector<16xf32>,
        tpu.vector_store_idx %arg7[%add3A_133, %broadcast_in_dim3A_27, %shift_right_arithmetic3A_253, %broadcast_in_dim3A_27, %and3A_256, %add3A_20], %gather3A_285 : memref<2x1x8x1x8x128xf32, #tpu.memory_space<vmem>>[vector<16xi32>, vector<16xi32>, vector<16xi32>, vector<16xi32>, vector<16xi32>, vector<16xi32>], vector<16xf32>,
        %gather3A_286 = arith.constant 0 : i32
        %gather3A_287 = arith.constant 0 : i32
        %gather3A_288 = tpu.memref_slice %arg6[%scan3A_135, %gather3A_286, %gather3A_287] : memref<2x128x128xf32, #tpu.memory_space<vmem>> -> memref<1x128x128xf32, #tpu.memory_space<vmem>>
        %gather3A_289 = tpu.memref_squeeze %gather3A_288 : memref<1x128x128xf32, #tpu.memory_space<vmem>> -> memref<128x128xf32, #tpu.memory_space<vmem>>
        %gather3A_290 = tpu.vector_load_idx %gather3A_289[%add3A_23, %add3A_250] : memref<128x128xf32, #tpu.memory_space<vmem>>[vector<16xi32>, vector<16xi32>], vector<16xf32>,
        tpu.vector_store_idx %arg7[%add3A_133, %broadcast_in_dim3A_27, %shift_right_arithmetic3A_253, %broadcast_in_dim3A_27, %and3A_256, %add3A_23], %gather3A_290 : memref<2x1x8x1x8x128xf32, #tpu.memory_space<vmem>>[vector<16xi32>, vector<16xi32>, vector<16xi32>, vector<16xi32>, vector<16xi32>, vector<16xi32>], vector<16xf32>,
        %gather3A_291 = arith.constant 0 : i32
        %gather3A_292 = arith.constant 0 : i32
        %gather3A_293 = tpu.memref_slice %arg6[%scan3A_135, %gather3A_291, %gather3A_292] : memref<2x128x128xf32, #tpu.memory_space<vmem>> -> memref<1x128x128xf32, #tpu.memory_space<vmem>>
        %gather3A_294 = tpu.memref_squeeze %gather3A_293 : memref<1x128x128xf32, #tpu.memory_space<vmem>> -> memref<128x128xf32, #tpu.memory_space<vmem>>
        %gather3A_295 = tpu.vector_load_idx %gather3A_294[%add3A_26, %add3A_250] : memref<128x128xf32, #tpu.memory_space<vmem>>[vector<16xi32>, vector<16xi32>], vector<16xf32>,
        tpu.vector_store_idx %arg7[%add3A_133, %broadcast_in_dim3A_27, %shift_right_arithmetic3A_253, %broadcast_in_dim3A_27, %and3A_256, %add3A_26], %gather3A_295 : memref<2x1x8x1x8x128xf32, #tpu.memory_space<vmem>>[vector<16xi32>, vector<16xi32>, vector<16xi32>, vector<16xi32>, vector<16xi32>, vector<16xi32>], vector<16xf32>,
        %add3A_296 = arith.constant 16 : i32
        %add3A_297 = vector.broadcast %add3A_296 : i32 to vector<16xi32>
        %add3A_298 = arith.addi %and3A_247, %add3A_297 : vector<16xi32>
        %shift_right_arithmetic3A_299 = arith.constant 3 : i32
        %shift_right_arithmetic3A_300 = vector.broadcast %shift_right_arithmetic3A_299 : i32 to vector<16xi32>
        %shift_right_arithmetic3A_301 = arith.shrsi %add3A_298, %shift_right_arithmetic3A_300 : vector<16xi32>
        %and3A_302 = arith.constant 7 : i32
        %and3A_303 = vector.broadcast %and3A_302 : i32 to vector<16xi32>
        %and3A_304 = arith.andi %add3A_298, %and3A_303 : vector<16xi32>
        %gather3A_305 = arith.constant 0 : i32
        %gather3A_306 = arith.constant 0 : i32
        %gather3A_307 = tpu.memref_slice %arg6[%scan3A_135, %gather3A_305, %gather3A_306] : memref<2x128x128xf32, #tpu.memory_space<vmem>> -> memref<1x128x128xf32, #tpu.memory_space<vmem>>
        %gather3A_308 = tpu.memref_squeeze %gather3A_307 : memref<1x128x128xf32, #tpu.memory_space<vmem>> -> memref<128x128xf32, #tpu.memory_space<vmem>>
        %gather3A_309 = tpu.vector_load_idx %gather3A_308[%add3A_5, %add3A_298] : memref<128x128xf32, #tpu.memory_space<vmem>>[vector<16xi32>, vector<16xi32>], vector<16xf32>,
        tpu.vector_store_idx %arg7[%add3A_133, %broadcast_in_dim3A_27, %shift_right_arithmetic3A_301, %broadcast_in_dim3A_27, %and3A_304, %add3A_5], %gather3A_309 : memref<2x1x8x1x8x128xf32, #tpu.memory_space<vmem>>[vector<16xi32>, vector<16xi32>, vector<16xi32>, vector<16xi32>, vector<16xi32>, vector<16xi32>], vector<16xf32>,
        %gather3A_310 = arith.constant 0 : i32
        %gather3A_311 = arith.constant 0 : i32
        %gather3A_312 = tpu.memref_slice %arg6[%scan3A_135, %gather3A_310, %gather3A_311] : memref<2x128x128xf32, #tpu.memory_space<vmem>> -> memref<1x128x128xf32, #tpu.memory_space<vmem>>
        %gather3A_313 = tpu.memref_squeeze %gather3A_312 : memref<1x128x128xf32, #tpu.memory_space<vmem>> -> memref<128x128xf32, #tpu.memory_space<vmem>>
        %gather3A_314 = tpu.vector_load_idx %gather3A_313[%add3A_8, %add3A_298] : memref<128x128xf32, #tpu.memory_space<vmem>>[vector<16xi32>, vector<16xi32>], vector<16xf32>,
        tpu.vector_store_idx %arg7[%add3A_133, %broadcast_in_dim3A_27, %shift_right_arithmetic3A_301, %broadcast_in_dim3A_27, %and3A_304, %add3A_8], %gather3A_314 : memref<2x1x8x1x8x128xf32, #tpu.memory_space<vmem>>[vector<16xi32>, vector<16xi32>, vector<16xi32>, vector<16xi32>, vector<16xi32>, vector<16xi32>], vector<16xf32>,
        %gather3A_315 = arith.constant 0 : i32
        %gather3A_316 = arith.constant 0 : i32
        %gather3A_317 = tpu.memref_slice %arg6[%scan3A_135, %gather3A_315, %gather3A_316] : memref<2x128x128xf32, #tpu.memory_space<vmem>> -> memref<1x128x128xf32, #tpu.memory_space<vmem>>
        %gather3A_318 = tpu.memref_squeeze %gather3A_317 : memref<1x128x128xf32, #tpu.memory_space<vmem>> -> memref<128x128xf32, #tpu.memory_space<vmem>>
        %gather3A_319 = tpu.vector_load_idx %gather3A_318[%add3A_11, %add3A_298] : memref<128x128xf32, #tpu.memory_space<vmem>>[vector<16xi32>, vector<16xi32>], vector<16xf32>,
        tpu.vector_store_idx %arg7[%add3A_133, %broadcast_in_dim3A_27, %shift_right_arithmetic3A_301, %broadcast_in_dim3A_27, %and3A_304, %add3A_11], %gather3A_319 : memref<2x1x8x1x8x128xf32, #tpu.memory_space<vmem>>[vector<16xi32>, vector<16xi32>, vector<16xi32>, vector<16xi32>, vector<16xi32>, vector<16xi32>], vector<16xf32>,
        %gather3A_320 = arith.constant 0 : i32
        %gather3A_321 = arith.constant 0 : i32
        %gather3A_322 = tpu.memref_slice %arg6[%scan3A_135, %gather3A_320, %gather3A_321] : memref<2x128x128xf32, #tpu.memory_space<vmem>> -> memref<1x128x128xf32, #tpu.memory_space<vmem>>
        %gather3A_323 = tpu.memref_squeeze %gather3A_322 : memref<1x128x128xf32, #tpu.memory_space<vmem>> -> memref<128x128xf32, #tpu.memory_space<vmem>>
        %gather3A_324 = tpu.vector_load_idx %gather3A_323[%add3A_14, %add3A_298] : memref<128x128xf32, #tpu.memory_space<vmem>>[vector<16xi32>, vector<16xi32>], vector<16xf32>,
        tpu.vector_store_idx %arg7[%add3A_133, %broadcast_in_dim3A_27, %shift_right_arithmetic3A_301, %broadcast_in_dim3A_27, %and3A_304, %add3A_14], %gather3A_324 : memref<2x1x8x1x8x128xf32, #tpu.memory_space<vmem>>[vector<16xi32>, vector<16xi32>, vector<16xi32>, vector<16xi32>, vector<16xi32>, vector<16xi32>], vector<16xf32>,
        %gather3A_325 = arith.constant 0 : i32
        %gather3A_326 = arith.constant 0 : i32
        %gather3A_327 = tpu.memref_slice %arg6[%scan3A_135, %gather3A_325, %gather3A_326] : memref<2x128x128xf32, #tpu.memory_space<vmem>> -> memref<1x128x128xf32, #tpu.memory_space<vmem>>
        %gather3A_328 = tpu.memref_squeeze %gather3A_327 : memref<1x128x128xf32, #tpu.memory_space<vmem>> -> memref<128x128xf32, #tpu.memory_space<vmem>>
        %gather3A_329 = tpu.vector_load_idx %gather3A_328[%add3A_17, %add3A_298] : memref<128x128xf32, #tpu.memory_space<vmem>>[vector<16xi32>, vector<16xi32>], vector<16xf32>,
        tpu.vector_store_idx %arg7[%add3A_133, %broadcast_in_dim3A_27, %shift_right_arithmetic3A_301, %broadcast_in_dim3A_27, %and3A_304, %add3A_17], %gather3A_329 : memref<2x1x8x1x8x128xf32, #tpu.memory_space<vmem>>[vector<16xi32>, vector<16xi32>, vector<16xi32>, vector<16xi32>, vector<16xi32>, vector<16xi32>], vector<16xf32>,
        %gather3A_330 = arith.constant 0 : i32
        %gather3A_331 = arith.constant 0 : i32
        %gather3A_332 = tpu.memref_slice %arg6[%scan3A_135, %gather3A_330, %gather3A_331] : memref<2x128x128xf32, #tpu.memory_space<vmem>> -> memref<1x128x128xf32, #tpu.memory_space<vmem>>
        %gather3A_333 = tpu.memref_squeeze %gather3A_332 : memref<1x128x128xf32, #tpu.memory_space<vmem>> -> memref<128x128xf32, #tpu.memory_space<vmem>>
        %gather3A_334 = tpu.vector_load_idx %gather3A_333[%add3A_20, %add3A_298] : memref<128x128xf32, #tpu.memory_space<vmem>>[vector<16xi32>, vector<16xi32>], vector<16xf32>,
        tpu.vector_store_idx %arg7[%add3A_133, %broadcast_in_dim3A_27, %shift_right_arithmetic3A_301, %broadcast_in_dim3A_27, %and3A_304, %add3A_20], %gather3A_334 : memref<2x1x8x1x8x128xf32, #tpu.memory_space<vmem>>[vector<16xi32>, vector<16xi32>, vector<16xi32>, vector<16xi32>, vector<16xi32>, vector<16xi32>], vector<16xf32>,
        %gather3A_335 = arith.constant 0 : i32
        %gather3A_336 = arith.constant 0 : i32
        %gather3A_337 = tpu.memref_slice %arg6[%scan3A_135, %gather3A_335, %gather3A_336] : memref<2x128x128xf32, #tpu.memory_space<vmem>> -> memref<1x128x128xf32, #tpu.memory_space<vmem>>
        %gather3A_338 = tpu.memref_squeeze %gather3A_337 : memref<1x128x128xf32, #tpu.memory_space<vmem>> -> memref<128x128xf32, #tpu.memory_space<vmem>>
        %gather3A_339 = tpu.vector_load_idx %gather3A_338[%add3A_23, %add3A_298] : memref<128x128xf32, #tpu.memory_space<vmem>>[vector<16xi32>, vector<16xi32>], vector<16xf32>,
        tpu.vector_store_idx %arg7[%add3A_133, %broadcast_in_dim3A_27, %shift_right_arithmetic3A_301, %broadcast_in_dim3A_27, %and3A_304, %add3A_23], %gather3A_339 : memref<2x1x8x1x8x128xf32, #tpu.memory_space<vmem>>[vector<16xi32>, vector<16xi32>, vector<16xi32>, vector<16xi32>, vector<16xi32>, vector<16xi32>], vector<16xf32>,
        %gather3A_340 = arith.constant 0 : i32
        %gather3A_341 = arith.constant 0 : i32
        %gather3A_342 = tpu.memref_slice %arg6[%scan3A_135, %gather3A_340, %gather3A_341] : memref<2x128x128xf32, #tpu.memory_space<vmem>> -> memref<1x128x128xf32, #tpu.memory_space<vmem>>
        %gather3A_343 = tpu.memref_squeeze %gather3A_342 : memref<1x128x128xf32, #tpu.memory_space<vmem>> -> memref<128x128xf32, #tpu.memory_space<vmem>>
        %gather3A_344 = tpu.vector_load_idx %gather3A_343[%add3A_26, %add3A_298] : memref<128x128xf32, #tpu.memory_space<vmem>>[vector<16xi32>, vector<16xi32>], vector<16xf32>,
        tpu.vector_store_idx %arg7[%add3A_133, %broadcast_in_dim3A_27, %shift_right_arithmetic3A_301, %broadcast_in_dim3A_27, %and3A_304, %add3A_26], %gather3A_344 : memref<2x1x8x1x8x128xf32, #tpu.memory_space<vmem>>[vector<16xi32>, vector<16xi32>, vector<16xi32>, vector<16xi32>, vector<16xi32>, vector<16xi32>], vector<16xf32>,
        %add3A_345 = arith.constant 32 : i32
        %add3A_346 = vector.broadcast %add3A_345 : i32 to vector<16xi32>
        %add3A_347 = arith.addi %and3A_247, %add3A_346 : vector<16xi32>
        %shift_right_arithmetic3A_348 = arith.constant 3 : i32
        %shift_right_arithmetic3A_349 = vector.broadcast %shift_right_arithmetic3A_348 : i32 to vector<16xi32>
        %shift_right_arithmetic3A_350 = arith.shrsi %add3A_347, %shift_right_arithmetic3A_349 : vector<16xi32>
        %and3A_351 = arith.constant 7 : i32
        %and3A_352 = vector.broadcast %and3A_351 : i32 to vector<16xi32>
        %and3A_353 = arith.andi %add3A_347, %and3A_352 : vector<16xi32>
        %gather3A_354 = arith.constant 0 : i32
        %gather3A_355 = arith.constant 0 : i32
        %gather3A_356 = tpu.memref_slice %arg6[%scan3A_135, %gather3A_354, %gather3A_355] : memref<2x128x128xf32, #tpu.memory_space<vmem>> -> memref<1x128x128xf32, #tpu.memory_space<vmem>>
        %gather3A_357 = tpu.memref_squeeze %gather3A_356 : memref<1x128x128xf32, #tpu.memory_space<vmem>> -> memref<128x128xf32, #tpu.memory_space<vmem>>
        %gather3A_358 = tpu.vector_load_idx %gather3A_357[%add3A_5, %add3A_347] : memref<128x128xf32, #tpu.memory_space<vmem>>[vector<16xi32>, vector<16xi32>], vector<16xf32>,
        tpu.vector_store_idx %arg7[%add3A_133, %broadcast_in_dim3A_27, %shift_right_arithmetic3A_350, %broadcast_in_dim3A_27, %and3A_353, %add3A_5], %gather3A_358 : memref<2x1x8x1x8x128xf32, #tpu.memory_space<vmem>>[vector<16xi32>, vector<16xi32>, vector<16xi32>, vector<16xi32>, vector<16xi32>, vector<16xi32>], vector<16xf32>,
        %gather3A_359 = arith.constant 0 : i32
        %gather3A_360 = arith.constant 0 : i32
        %gather3A_361 = tpu.memref_slice %arg6[%scan3A_135, %gather3A_359, %gather3A_360] : memref<2x128x128xf32, #tpu.memory_space<vmem>> -> memref<1x128x128xf32, #tpu.memory_space<vmem>>
        %gather3A_362 = tpu.memref_squeeze %gather3A_361 : memref<1x128x128xf32, #tpu.memory_space<vmem>> -> memref<128x128xf32, #tpu.memory_space<vmem>>
        %gather3A_363 = tpu.vector_load_idx %gather3A_362[%add3A_8, %add3A_347] : memref<128x128xf32, #tpu.memory_space<vmem>>[vector<16xi32>, vector<16xi32>], vector<16xf32>,
        tpu.vector_store_idx %arg7[%add3A_133, %broadcast_in_dim3A_27, %shift_right_arithmetic3A_350, %broadcast_in_dim3A_27, %and3A_353, %add3A_8], %gather3A_363 : memref<2x1x8x1x8x128xf32, #tpu.memory_space<vmem>>[vector<16xi32>, vector<16xi32>, vector<16xi32>, vector<16xi32>, vector<16xi32>, vector<16xi32>], vector<16xf32>,
        %gather3A_364 = arith.constant 0 : i32
        %gather3A_365 = arith.constant 0 : i32
        %gather3A_366 = tpu.memref_slice %arg6[%scan3A_135, %gather3A_364, %gather3A_365] : memref<2x128x128xf32, #tpu.memory_space<vmem>> -> memref<1x128x128xf32, #tpu.memory_space<vmem>>
        %gather3A_367 = tpu.memref_squeeze %gather3A_366 : memref<1x128x128xf32, #tpu.memory_space<vmem>> -> memref<128x128xf32, #tpu.memory_space<vmem>>
        %gather3A_368 = tpu.vector_load_idx %gather3A_367[%add3A_11, %add3A_347] : memref<128x128xf32, #tpu.memory_space<vmem>>[vector<16xi32>, vector<16xi32>], vector<16xf32>,
        tpu.vector_store_idx %arg7[%add3A_133, %broadcast_in_dim3A_27, %shift_right_arithmetic3A_350, %broadcast_in_dim3A_27, %and3A_353, %add3A_11], %gather3A_368 : memref<2x1x8x1x8x128xf32, #tpu.memory_space<vmem>>[vector<16xi32>, vector<16xi32>, vector<16xi32>, vector<16xi32>, vector<16xi32>, vector<16xi32>], vector<16xf32>,
        %gather3A_369 = arith.constant 0 : i32
        %gather3A_370 = arith.constant 0 : i32
        %gather3A_371 = tpu.memref_slice %arg6[%scan3A_135, %gather3A_369, %gather3A_370] : memref<2x128x128xf32, #tpu.memory_space<vmem>> -> memref<1x128x128xf32, #tpu.memory_space<vmem>>
        %gather3A_372 = tpu.memref_squeeze %gather3A_371 : memref<1x128x128xf32, #tpu.memory_space<vmem>> -> memref<128x128xf32, #tpu.memory_space<vmem>>
        %gather3A_373 = tpu.vector_load_idx %gather3A_372[%add3A_14, %add3A_347] : memref<128x128xf32, #tpu.memory_space<vmem>>[vector<16xi32>, vector<16xi32>], vector<16xf32>,
        tpu.vector_store_idx %arg7[%add3A_133, %broadcast_in_dim3A_27, %shift_right_arithmetic3A_350, %broadcast_in_dim3A_27, %and3A_353, %add3A_14], %gather3A_373 : memref<2x1x8x1x8x128xf32, #tpu.memory_space<vmem>>[vector<16xi32>, vector<16xi32>, vector<16xi32>, vector<16xi32>, vector<16xi32>, vector<16xi32>], vector<16xf32>,
        %gather3A_374 = arith.constant 0 : i32
        %gather3A_375 = arith.constant 0 : i32
        %gather3A_376 = tpu.memref_slice %arg6[%scan3A_135, %gather3A_374, %gather3A_375] : memref<2x128x128xf32, #tpu.memory_space<vmem>> -> memref<1x128x128xf32, #tpu.memory_space<vmem>>
        %gather3A_377 = tpu.memref_squeeze %gather3A_376 : memref<1x128x128xf32, #tpu.memory_space<vmem>> -> memref<128x128xf32, #tpu.memory_space<vmem>>
        %gather3A_378 = tpu.vector_load_idx %gather3A_377[%add3A_17, %add3A_347] : memref<128x128xf32, #tpu.memory_space<vmem>>[vector<16xi32>, vector<16xi32>], vector<16xf32>,
        tpu.vector_store_idx %arg7[%add3A_133, %broadcast_in_dim3A_27, %shift_right_arithmetic3A_350, %broadcast_in_dim3A_27, %and3A_353, %add3A_17], %gather3A_378 : memref<2x1x8x1x8x128xf32, #tpu.memory_space<vmem>>[vector<16xi32>, vector<16xi32>, vector<16xi32>, vector<16xi32>, vector<16xi32>, vector<16xi32>], vector<16xf32>,
        %gather3A_379 = arith.constant 0 : i32
        %gather3A_380 = arith.constant 0 : i32
        %gather3A_381 = tpu.memref_slice %arg6[%scan3A_135, %gather3A_379, %gather3A_380] : memref<2x128x128xf32, #tpu.memory_space<vmem>> -> memref<1x128x128xf32, #tpu.memory_space<vmem>>
        %gather3A_382 = tpu.memref_squeeze %gather3A_381 : memref<1x128x128xf32, #tpu.memory_space<vmem>> -> memref<128x128xf32, #tpu.memory_space<vmem>>
        %gather3A_383 = tpu.vector_load_idx %gather3A_382[%add3A_20, %add3A_347] : memref<128x128xf32, #tpu.memory_space<vmem>>[vector<16xi32>, vector<16xi32>], vector<16xf32>,
        tpu.vector_store_idx %arg7[%add3A_133, %broadcast_in_dim3A_27, %shift_right_arithmetic3A_350, %broadcast_in_dim3A_27, %and3A_353, %add3A_20], %gather3A_383 : memref<2x1x8x1x8x128xf32, #tpu.memory_space<vmem>>[vector<16xi32>, vector<16xi32>, vector<16xi32>, vector<16xi32>, vector<16xi32>, vector<16xi32>], vector<16xf32>,
        %gather3A_384 = arith.constant 0 : i32
        %gather3A_385 = arith.constant 0 : i32
        %gather3A_386 = tpu.memref_slice %arg6[%scan3A_135, %gather3A_384, %gather3A_385] : memref<2x128x128xf32, #tpu.memory_space<vmem>> -> memref<1x128x128xf32, #tpu.memory_space<vmem>>
        %gather3A_387 = tpu.memref_squeeze %gather3A_386 : memref<1x128x128xf32, #tpu.memory_space<vmem>> -> memref<128x128xf32, #tpu.memory_space<vmem>>
        %gather3A_388 = tpu.vector_load_idx %gather3A_387[%add3A_23, %add3A_347] : memref<128x128xf32, #tpu.memory_space<vmem>>[vector<16xi32>, vector<16xi32>], vector<16xf32>,
        tpu.vector_store_idx %arg7[%add3A_133, %broadcast_in_dim3A_27, %shift_right_arithmetic3A_350, %broadcast_in_dim3A_27, %and3A_353, %add3A_23], %gather3A_388 : memref<2x1x8x1x8x128xf32, #tpu.memory_space<vmem>>[vector<16xi32>, vector<16xi32>, vector<16xi32>, vector<16xi32>, vector<16xi32>, vector<16xi32>], vector<16xf32>,
        %gather3A_389 = arith.constant 0 : i32
        %gather3A_390 = arith.constant 0 : i32
        %gather3A_391 = tpu.memref_slice %arg6[%scan3A_135, %gather3A_389, %gather3A_390] : memref<2x128x128xf32, #tpu.memory_space<vmem>> -> memref<1x128x128xf32, #tpu.memory_space<vmem>>
        %gather3A_392 = tpu.memref_squeeze %gather3A_391 : memref<1x128x128xf32, #tpu.memory_space<vmem>> -> memref<128x128xf32, #tpu.memory_space<vmem>>
        %gather3A_393 = tpu.vector_load_idx %gather3A_392[%add3A_26, %add3A_347] : memref<128x128xf32, #tpu.memory_space<vmem>>[vector<16xi32>, vector<16xi32>], vector<16xf32>,
        tpu.vector_store_idx %arg7[%add3A_133, %broadcast_in_dim3A_27, %shift_right_arithmetic3A_350, %broadcast_in_dim3A_27, %and3A_353, %add3A_26], %gather3A_393 : memref<2x1x8x1x8x128xf32, #tpu.memory_space<vmem>>[vector<16xi32>, vector<16xi32>, vector<16xi32>, vector<16xi32>, vector<16xi32>, vector<16xi32>], vector<16xf32>,
        %add3A_394 = arith.constant 48 : i32
        %add3A_395 = vector.broadcast %add3A_394 : i32 to vector<16xi32>
        %add3A_396 = arith.addi %and3A_247, %add3A_395 : vector<16xi32>
        %shift_right_arithmetic3A_397 = arith.constant 3 : i32
        %shift_right_arithmetic3A_398 = vector.broadcast %shift_right_arithmetic3A_397 : i32 to vector<16xi32>
        %shift_right_arithmetic3A_399 = arith.shrsi %add3A_396, %shift_right_arithmetic3A_398 : vector<16xi32>
        %and3A_400 = arith.constant 7 : i32
        %and3A_401 = vector.broadcast %and3A_400 : i32 to vector<16xi32>
        %and3A_402 = arith.andi %add3A_396, %and3A_401 : vector<16xi32>
        %gather3A_403 = arith.constant 0 : i32
        %gather3A_404 = arith.constant 0 : i32
        %gather3A_405 = tpu.memref_slice %arg6[%scan3A_135, %gather3A_403, %gather3A_404] : memref<2x128x128xf32, #tpu.memory_space<vmem>> -> memref<1x128x128xf32, #tpu.memory_space<vmem>>
        %gather3A_406 = tpu.memref_squeeze %gather3A_405 : memref<1x128x128xf32, #tpu.memory_space<vmem>> -> memref<128x128xf32, #tpu.memory_space<vmem>>
        %gather3A_407 = tpu.vector_load_idx %gather3A_406[%add3A_5, %add3A_396] : memref<128x128xf32, #tpu.memory_space<vmem>>[vector<16xi32>, vector<16xi32>], vector<16xf32>,
        tpu.vector_store_idx %arg7[%add3A_133, %broadcast_in_dim3A_27, %shift_right_arithmetic3A_399, %broadcast_in_dim3A_27, %and3A_402, %add3A_5], %gather3A_407 : memref<2x1x8x1x8x128xf32, #tpu.memory_space<vmem>>[vector<16xi32>, vector<16xi32>, vector<16xi32>, vector<16xi32>, vector<16xi32>, vector<16xi32>], vector<16xf32>,
        %gather3A_408 = arith.constant 0 : i32
        %gather3A_409 = arith.constant 0 : i32
        %gather3A_410 = tpu.memref_slice %arg6[%scan3A_135, %gather3A_408, %gather3A_409] : memref<2x128x128xf32, #tpu.memory_space<vmem>> -> memref<1x128x128xf32, #tpu.memory_space<vmem>>
        %gather3A_411 = tpu.memref_squeeze %gather3A_410 : memref<1x128x128xf32, #tpu.memory_space<vmem>> -> memref<128x128xf32, #tpu.memory_space<vmem>>
        %gather3A_412 = tpu.vector_load_idx %gather3A_411[%add3A_8, %add3A_396] : memref<128x128xf32, #tpu.memory_space<vmem>>[vector<16xi32>, vector<16xi32>], vector<16xf32>,
        tpu.vector_store_idx %arg7[%add3A_133, %broadcast_in_dim3A_27, %shift_right_arithmetic3A_399, %broadcast_in_dim3A_27, %and3A_402, %add3A_8], %gather3A_412 : memref<2x1x8x1x8x128xf32, #tpu.memory_space<vmem>>[vector<16xi32>, vector<16xi32>, vector<16xi32>, vector<16xi32>, vector<16xi32>, vector<16xi32>], vector<16xf32>,
        %gather3A_413 = arith.constant 0 : i32
        %gather3A_414 = arith.constant 0 : i32
        %gather3A_415 = tpu.memref_slice %arg6[%scan3A_135, %gather3A_413, %gather3A_414] : memref<2x128x128xf32, #tpu.memory_space<vmem>> -> memref<1x128x128xf32, #tpu.memory_space<vmem>>
        %gather3A_416 = tpu.memref_squeeze %gather3A_415 : memref<1x128x128xf32, #tpu.memory_space<vmem>> -> memref<128x128xf32, #tpu.memory_space<vmem>>
        %gather3A_417 = tpu.vector_load_idx %gather3A_416[%add3A_11, %add3A_396] : memref<128x128xf32, #tpu.memory_space<vmem>>[vector<16xi32>, vector<16xi32>], vector<16xf32>,
        tpu.vector_store_idx %arg7[%add3A_133, %broadcast_in_dim3A_27, %shift_right_arithmetic3A_399, %broadcast_in_dim3A_27, %and3A_402, %add3A_11], %gather3A_417 : memref<2x1x8x1x8x128xf32, #tpu.memory_space<vmem>>[vector<16xi32>, vector<16xi32>, vector<16xi32>, vector<16xi32>, vector<16xi32>, vector<16xi32>], vector<16xf32>,
        %gather3A_418 = arith.constant 0 : i32
        %gather3A_419 = arith.constant 0 : i32
        %gather3A_420 = tpu.memref_slice %arg6[%scan3A_135, %gather3A_418, %gather3A_419] : memref<2x128x128xf32, #tpu.memory_space<vmem>> -> memref<1x128x128xf32, #tpu.memory_space<vmem>>
        %gather3A_421 = tpu.memref_squeeze %gather3A_420 : memref<1x128x128xf32, #tpu.memory_space<vmem>> -> memref<128x128xf32, #tpu.memory_space<vmem>>
        %gather3A_422 = tpu.vector_load_idx %gather3A_421[%add3A_14, %add3A_396] : memref<128x128xf32, #tpu.memory_space<vmem>>[vector<16xi32>, vector<16xi32>], vector<16xf32>,
        tpu.vector_store_idx %arg7[%add3A_133, %broadcast_in_dim3A_27, %shift_right_arithmetic3A_399, %broadcast_in_dim3A_27, %and3A_402, %add3A_14], %gather3A_422 : memref<2x1x8x1x8x128xf32, #tpu.memory_space<vmem>>[vector<16xi32>, vector<16xi32>, vector<16xi32>, vector<16xi32>, vector<16xi32>, vector<16xi32>], vector<16xf32>,
        %gather3A_423 = arith.constant 0 : i32
        %gather3A_424 = arith.constant 0 : i32
        %gather3A_425 = tpu.memref_slice %arg6[%scan3A_135, %gather3A_423, %gather3A_424] : memref<2x128x128xf32, #tpu.memory_space<vmem>> -> memref<1x128x128xf32, #tpu.memory_space<vmem>>
        %gather3A_426 = tpu.memref_squeeze %gather3A_425 : memref<1x128x128xf32, #tpu.memory_space<vmem>> -> memref<128x128xf32, #tpu.memory_space<vmem>>
        %gather3A_427 = tpu.vector_load_idx %gather3A_426[%add3A_17, %add3A_396] : memref<128x128xf32, #tpu.memory_space<vmem>>[vector<16xi32>, vector<16xi32>], vector<16xf32>,
        tpu.vector_store_idx %arg7[%add3A_133, %broadcast_in_dim3A_27, %shift_right_arithmetic3A_399, %broadcast_in_dim3A_27, %and3A_402, %add3A_17], %gather3A_427 : memref<2x1x8x1x8x128xf32, #tpu.memory_space<vmem>>[vector<16xi32>, vector<16xi32>, vector<16xi32>, vector<16xi32>, vector<16xi32>, vector<16xi32>], vector<16xf32>,
        %gather3A_428 = arith.constant 0 : i32
        %gather3A_429 = arith.constant 0 : i32
        %gather3A_430 = tpu.memref_slice %arg6[%scan3A_135, %gather3A_428, %gather3A_429] : memref<2x128x128xf32, #tpu.memory_space<vmem>> -> memref<1x128x128xf32, #tpu.memory_space<vmem>>
        %gather3A_431 = tpu.memref_squeeze %gather3A_430 : memref<1x128x128xf32, #tpu.memory_space<vmem>> -> memref<128x128xf32, #tpu.memory_space<vmem>>
        %gather3A_432 = tpu.vector_load_idx %gather3A_431[%add3A_20, %add3A_396] : memref<128x128xf32, #tpu.memory_space<vmem>>[vector<16xi32>, vector<16xi32>], vector<16xf32>,
        tpu.vector_store_idx %arg7[%add3A_133, %broadcast_in_dim3A_27, %shift_right_arithmetic3A_399, %broadcast_in_dim3A_27, %and3A_402, %add3A_20], %gather3A_432 : memref<2x1x8x1x8x128xf32, #tpu.memory_space<vmem>>[vector<16xi32>, vector<16xi32>, vector<16xi32>, vector<16xi32>, vector<16xi32>, vector<16xi32>], vector<16xf32>,
        %gather3A_433 = arith.constant 0 : i32
        %gather3A_434 = arith.constant 0 : i32
        %gather3A_435 = tpu.memref_slice %arg6[%scan3A_135, %gather3A_433, %gather3A_434] : memref<2x128x128xf32, #tpu.memory_space<vmem>> -> memref<1x128x128xf32, #tpu.memory_space<vmem>>
        %gather3A_436 = tpu.memref_squeeze %gather3A_435 : memref<1x128x128xf32, #tpu.memory_space<vmem>> -> memref<128x128xf32, #tpu.memory_space<vmem>>
        %gather3A_437 = tpu.vector_load_idx %gather3A_436[%add3A_23, %add3A_396] : memref<128x128xf32, #tpu.memory_space<vmem>>[vector<16xi32>, vector<16xi32>], vector<16xf32>,
        tpu.vector_store_idx %arg7[%add3A_133, %broadcast_in_dim3A_27, %shift_right_arithmetic3A_399, %broadcast_in_dim3A_27, %and3A_402, %add3A_23], %gather3A_437 : memref<2x1x8x1x8x128xf32, #tpu.memory_space<vmem>>[vector<16xi32>, vector<16xi32>, vector<16xi32>, vector<16xi32>, vector<16xi32>, vector<16xi32>], vector<16xf32>,
        %gather3A_438 = arith.constant 0 : i32
        %gather3A_439 = arith.constant 0 : i32
        %gather3A_440 = tpu.memref_slice %arg6[%scan3A_135, %gather3A_438, %gather3A_439] : memref<2x128x128xf32, #tpu.memory_space<vmem>> -> memref<1x128x128xf32, #tpu.memory_space<vmem>>
        %gather3A_441 = tpu.memref_squeeze %gather3A_440 : memref<1x128x128xf32, #tpu.memory_space<vmem>> -> memref<128x128xf32, #tpu.memory_space<vmem>>
        %gather3A_442 = tpu.vector_load_idx %gather3A_441[%add3A_26, %add3A_396] : memref<128x128xf32, #tpu.memory_space<vmem>>[vector<16xi32>, vector<16xi32>], vector<16xf32>,
        tpu.vector_store_idx %arg7[%add3A_133, %broadcast_in_dim3A_27, %shift_right_arithmetic3A_399, %broadcast_in_dim3A_27, %and3A_402, %add3A_26], %gather3A_442 : memref<2x1x8x1x8x128xf32, #tpu.memory_space<vmem>>[vector<16xi32>, vector<16xi32>, vector<16xi32>, vector<16xi32>, vector<16xi32>, vector<16xi32>], vector<16xf32>,
      }
      %scan3A_140 = arith.constant 16 : i32
      %lt3A = arith.constant 39 : i32
      %lt3A_141 = arith.cmpi slt, %scan3A_109, %lt3A : i32
      %convert_element_type3A_142 = arith.extui %lt3A_141 : i1 to i32
      %cond3A_143 = arith.constant 0 : i32
      %cond3A_144 = arith.cmpi ne, %convert_element_type3A_142, %cond3A_143 : i32
      scf.if %cond3A_144 {
        %add3A_242 = arith.constant 2 : i32
        %add3A_243 = arith.addi %add3A_113, %add3A_242 : i32
        %shift_right_arithmetic3A_244 = arith.constant 2 : i32
        %shift_right_arithmetic3A_245 = arith.shrsi %add3A_243, %shift_right_arithmetic3A_244 : i32
        %and3A_246 = arith.constant 3 : i32
        %and3A_247 = arith.andi %add3A_243, %and3A_246 : i32
        %mul3A_248 = arith.constant 128 : i32
        %mul3A_249 = arith.muli %and3A_247, %mul3A_248 : i32
        %dma_start3A_250 = arith.constant 0 : i32
        %dma_start3A_251 = arith.constant 0 : i32
        %dma_start3A_252 = arith.constant 0 : i32
        %dma_start3A_253 = tpu.memref_slice %arg6[%dma_start3A_250, %dma_start3A_251, %dma_start3A_252] : memref<2x128x128xf32, #tpu.memory_space<vmem>> -> memref<1x128x128xf32, #tpu.memory_space<vmem>>
        %dma_start3A_254 = tpu.memref_squeeze %dma_start3A_253 : memref<1x128x128xf32, #tpu.memory_space<vmem>> -> memref<128x128xf32, #tpu.memory_space<vmem>>
        %dma_start3A_255 = tpu.memref_slice %arg5[%shift_right_arithmetic3A_245, %mul3A_249] : memref<20x512xi32, #tpu.memory_space<vmem>> -> memref<1x128xi32, #tpu.memory_space<vmem>>
        %dma_start3A_256 = tpu.memref_squeeze %dma_start3A_255 : memref<1x128xi32, #tpu.memory_space<vmem>> -> memref<128xi32, #tpu.memory_space<vmem>>
        %dma_start3A_257 = arith.constant 0 : i32
        %dma_start3A_258 = arith.constant 0 : i32
        %dma_start3A_259 = tpu.memref_slice %arg3[%dma_start3A_257, %dma_start3A_258] : memref<1000000x128xf32, #tpu.memory_space<hbm>> -> memref<1000000x128xf32, #tpu.memory_space<hbm>>
        tpu.enqueue_indirect_dma source(%dma_start3A_259 : memref<1000000x128xf32, #tpu.memory_space<hbm>>) target(%dma_start3A_254 : memref<128x128xf32, #tpu.memory_space<vmem>>) offsets(%dma_start3A_256 : memref<128xi32, #tpu.memory_space<vmem>>) semaphore(%arg8 : memref<!tpu.dma_semaphore, #tpu.memory_space<semaphore_mem>>)
      } else {
      }
      %shift_right_arithmetic3A = arith.constant 2 : i32
      %shift_right_arithmetic3A_145 = arith.shrsi %add3A_113, %shift_right_arithmetic3A : i32
      %and3A = arith.constant 3 : i32
      %and3A_146 = arith.andi %add3A_113, %and3A : i32
      %mul3A_147 = arith.constant 4 : i32
      %mul3A_148 = arith.muli %add3A, %mul3A_147 : i32
      %add3A_149 = arith.addi %mul3A_148, %and3A_146 : i32
      %dma_start3A_150 = arith.constant 0 : i32
      %dma_start3A_151 = arith.constant 0 : i32
      %dma_start3A_152 = arith.constant 0 : i32
      %dma_start3A_153 = arith.constant 0 : i32
      %dma_start3A_154 = arith.constant 0 : i32
      %dma_start3A_155 = arith.constant 0 : i32
      %dma_start3A_156 = tpu.memref_slice %arg7[%dma_start3A_150, %dma_start3A_151, %dma_start3A_152, %dma_start3A_153, %dma_start3A_154, %dma_start3A_155] : memref<2x1x8x1x8x128xf32, #tpu.memory_space<vmem>> -> memref<1x1x8x1x8x128xf32, #tpu.memory_space<vmem>>
      %dma_start3A_157 = tpu.memref_squeeze %dma_start3A_156 : memref<1x1x8x1x8x128xf32, #tpu.memory_space<vmem>> -> memref<1x8x1x8x128xf32, #tpu.memory_space<vmem>>
      %dma_start3A_158 = arith.constant 0 : i32
      %dma_start3A_159 = arith.constant 0 : i32
      %dma_start3A_160 = arith.constant 0 : i32
      %dma_start3A_161 = tpu.memref_slice %arg4[%shift_right_arithmetic3A_145, %dma_start3A_158, %add3A_149, %dma_start3A_159, %dma_start3A_160] : memref<20x8x128x8x128xf32, #tpu.memory_space<hbm>> -> memref<1x8x1x8x128xf32, #tpu.memory_space<hbm>>
      %dma_start3A_162 = arith.constant 0 : i32
      %dma_start3A_163 = arith.constant 0 : i32
      %dma_start3A_164 = arith.constant 0 : i32
      %dma_start3A_165 = tpu.memref_slice %arg4[%shift_right_arithmetic3A_145, %dma_start3A_162, %add3A_149, %dma_start3A_163, %dma_start3A_164] : memref<20x8x128x8x128xf32, #tpu.memory_space<hbm>> -> memref<1x8x1x8x128xf32, #tpu.memory_space<hbm>>
      %dma_start3A_166 = arith.constant 0 : i32
      %dma_start3A_167 = arith.constant 0 : i32
      %dma_start3A_168 = arith.constant 0 : i32
      %dma_start3A_169 = arith.constant 0 : i32
      %dma_start3A_170 = arith.constant 0 : i32
      %dma_start3A_171 = tpu.memref_slice %arg7[%dma_start3A_150, %dma_start3A_166, %dma_start3A_167, %dma_start3A_168, %dma_start3A_169, %dma_start3A_170] : memref<2x1x8x1x8x128xf32, #tpu.memory_space<vmem>> -> memref<1x1x8x1x8x128xf32, #tpu.memory_space<vmem>>
      %dma_start3A_172 = tpu.memref_squeeze %dma_start3A_171 : memref<1x1x8x1x8x128xf32, #tpu.memory_space<vmem>> -> memref<1x8x1x8x128xf32, #tpu.memory_space<vmem>>
      tpu.enqueue_dma source(%dma_start3A_172 : memref<1x8x1x8x128xf32, #tpu.memory_space<vmem>>) target(%dma_start3A_165 : memref<1x8x1x8x128xf32, #tpu.memory_space<hbm>>) target_semaphore(%arg9 : memref<!tpu.dma_semaphore, #tpu.memory_space<semaphore_mem>>)
      %mul3A_173 = arith.constant 2 : i32
      %mul3A_174 = arith.muli %mul3A_173, %scan3A_109 : i32
      %add3A_175 = arith.constant 1 : i32
      %add3A_176 = arith.addi %mul3A_174, %add3A_175 : i32
      %dma_wait3A_177 = arith.constant 1 : i32
      %dma_wait3A_178 = arith.constant 0 : i32
      %dma_wait3A_179 = arith.constant 0 : i32
      %dma_wait3A_180 = tpu.memref_slice %arg6[%dma_wait3A_177, %dma_wait3A_178, %dma_wait3A_179] : memref<2x128x128xf32, #tpu.memory_space<vmem>> -> memref<1x128x128xf32, #tpu.memory_space<vmem>>
      %dma_wait3A_181 = tpu.memref_squeeze %dma_wait3A_180 : memref<1x128x128xf32, #tpu.memory_space<vmem>> -> memref<128x128xf32, #tpu.memory_space<vmem>>
      %dma_wait3A_182 = arith.constant 0 : i32
      %dma_wait3A_183 = arith.constant 0 : i32
      %dma_wait3A_184 = tpu.memref_slice %arg3[%dma_wait3A_182, %dma_wait3A_183] : memref<1000000x128xf32, #tpu.memory_space<hbm>> -> memref<128x128xf32, #tpu.memory_space<hbm>>
      %dma_wait3A_185 = arith.constant 0 : i32
      %dma_wait3A_186 = arith.constant 0 : i32
      %dma_wait3A_187 = tpu.memref_slice %arg6[%dma_wait3A_177, %dma_wait3A_185, %dma_wait3A_186] : memref<2x128x128xf32, #tpu.memory_space<vmem>> -> memref<1x128x128xf32, #tpu.memory_space<vmem>>
      %dma_wait3A_188 = tpu.memref_squeeze %dma_wait3A_187 : memref<1x128x128xf32, #tpu.memory_space<vmem>> -> memref<128x128xf32, #tpu.memory_space<vmem>>
      %dma_wait3A_189 = arith.constant 0 : i32
      %dma_wait3A_190 = arith.constant 0 : i32
      %dma_wait3A_191 = tpu.memref_slice %arg3[%dma_wait3A_189, %dma_wait3A_190] : memref<1000000x128xf32, #tpu.memory_space<hbm>> -> memref<128x128xf32, #tpu.memory_space<hbm>>
      tpu.wait_dma2 semaphore(%arg8 : memref<!tpu.dma_semaphore, #tpu.memory_space<semaphore_mem>>) src(%dma_wait3A_191 : memref<128x128xf32, #tpu.memory_space<hbm>>) dst(%dma_wait3A_188 : memref<128x128xf32, #tpu.memory_space<vmem>>)
      %gt3A_192 = arith.constant 0 : i32
      %gt3A_193 = arith.cmpi sgt, %scan3A_109, %gt3A_192 : i32
      %convert_element_type3A_194 = arith.extui %gt3A_193 : i1 to i32
      %cond3A_195 = arith.constant 0 : i32
      %cond3A_196 = arith.cmpi ne, %convert_element_type3A_194, %cond3A_195 : i32
      scf.if %cond3A_196 {
        %dma_wait3A_242 = arith.constant 1 : i32
        %dma_wait3A_243 = arith.constant 0 : i32
        %dma_wait3A_244 = arith.constant 0 : i32
        %dma_wait3A_245 = arith.constant 0 : i32
        %dma_wait3A_246 = arith.constant 0 : i32
        %dma_wait3A_247 = arith.constant 0 : i32
        %dma_wait3A_248 = tpu.memref_slice %arg7[%dma_wait3A_242, %dma_wait3A_243, %dma_wait3A_244, %dma_wait3A_245, %dma_wait3A_246, %dma_wait3A_247] : memref<2x1x8x1x8x128xf32, #tpu.memory_space<vmem>> -> memref<1x1x8x1x8x128xf32, #tpu.memory_space<vmem>>
        %dma_wait3A_249 = tpu.memref_squeeze %dma_wait3A_248 : memref<1x1x8x1x8x128xf32, #tpu.memory_space<vmem>> -> memref<1x8x1x8x128xf32, #tpu.memory_space<vmem>>
        %dma_wait3A_250 = arith.constant 0 : i32
        %dma_wait3A_251 = arith.constant 0 : i32
        %dma_wait3A_252 = arith.constant 0 : i32
        %dma_wait3A_253 = arith.constant 0 : i32
        %dma_wait3A_254 = arith.constant 0 : i32
        %dma_wait3A_255 = tpu.memref_slice %arg4[%dma_wait3A_250, %dma_wait3A_251, %dma_wait3A_252, %dma_wait3A_253, %dma_wait3A_254] : memref<20x8x128x8x128xf32, #tpu.memory_space<hbm>> -> memref<1x8x1x8x128xf32, #tpu.memory_space<hbm>>
        %dma_wait3A_256 = arith.constant 0 : i32
        %dma_wait3A_257 = arith.constant 0 : i32
        %dma_wait3A_258 = arith.constant 0 : i32
        %dma_wait3A_259 = arith.constant 0 : i32
        %dma_wait3A_260 = arith.constant 0 : i32
        %dma_wait3A_261 = tpu.memref_slice %arg4[%dma_wait3A_256, %dma_wait3A_257, %dma_wait3A_258, %dma_wait3A_259, %dma_wait3A_260] : memref<20x8x128x8x128xf32, #tpu.memory_space<hbm>> -> memref<1x8x1x8x128xf32, #tpu.memory_space<hbm>>
        %dma_wait3A_262 = arith.constant 0 : i32
        %dma_wait3A_263 = arith.constant 0 : i32
        %dma_wait3A_264 = arith.constant 0 : i32
        %dma_wait3A_265 = arith.constant 0 : i32
        %dma_wait3A_266 = arith.constant 0 : i32
        %dma_wait3A_267 = tpu.memref_slice %arg7[%dma_wait3A_242, %dma_wait3A_262, %dma_wait3A_263, %dma_wait3A_264, %dma_wait3A_265, %dma_wait3A_266] : memref<2x1x8x1x8x128xf32, #tpu.memory_space<vmem>> -> memref<1x1x8x1x8x128xf32, #tpu.memory_space<vmem>>
        %dma_wait3A_268 = tpu.memref_squeeze %dma_wait3A_267 : memref<1x1x8x1x8x128xf32, #tpu.memory_space<vmem>> -> memref<1x8x1x8x128xf32, #tpu.memory_space<vmem>>
        tpu.wait_dma2 semaphore(%arg9 : memref<!tpu.dma_semaphore, #tpu.memory_space<semaphore_mem>>) src(%dma_wait3A_268 : memref<1x8x1x8x128xf32, #tpu.memory_space<vmem>>) dst(%dma_wait3A_261 : memref<1x8x1x8x128xf32, #tpu.memory_space<hbm>>)
      } else {
      }
      %add3A_197 = arith.constant 1 : i32
      %add3A_198 = vector.broadcast %add3A_197 : i32 to vector<16xi32>
      %add3A_199 = arith.addi %broadcast_in_dim3A_27, %add3A_198 : vector<16xi32>
      %scan3A_200 = arith.constant 0 : i32
      %scan3A_201 = arith.constant 1 : i32
      %scan3A_202 = arith.constant 0 : i32
      %scan3A_203 = arith.constant 16 : i32
      %scan3A_204 = arith.addi %scan3A_202, %scan3A_203 : i32
      %scan3A_205 = arith.constant 1 : i32
      scf.for %scan3A_242 = %scan3A_202 to %scan3A_204 step %scan3A_205  : i32 {
        %add3A_243 = vector.broadcast %scan3A_242 : i32 to vector<16xi32>
        %add3A_244 = arith.addi %iota3A, %add3A_243 : vector<16xi32>
        %and3A_245 = arith.constant 15 : i32
        %and3A_246 = vector.broadcast %and3A_245 : i32 to vector<16xi32>
        %and3A_247 = arith.andi %add3A_244, %and3A_246 : vector<16xi32>
        %add3A_248 = arith.constant 0 : i32
        %add3A_249 = vector.broadcast %add3A_248 : i32 to vector<16xi32>
        %add3A_250 = arith.addi %and3A_247, %add3A_249 : vector<16xi32>
        %shift_right_arithmetic3A_251 = arith.constant 3 : i32
        %shift_right_arithmetic3A_252 = vector.broadcast %shift_right_arithmetic3A_251 : i32 to vector<16xi32>
        %shift_right_arithmetic3A_253 = arith.shrsi %add3A_250, %shift_right_arithmetic3A_252 : vector<16xi32>
        %and3A_254 = arith.constant 7 : i32
        %and3A_255 = vector.broadcast %and3A_254 : i32 to vector<16xi32>
        %and3A_256 = arith.andi %add3A_250, %and3A_255 : vector<16xi32>
        %gather3A = arith.constant 0 : i32
        %gather3A_257 = arith.constant 0 : i32
        %gather3A_258 = tpu.memref_slice %arg6[%scan3A_201, %gather3A, %gather3A_257] : memref<2x128x128xf32, #tpu.memory_space<vmem>> -> memref<1x128x128xf32, #tpu.memory_space<vmem>>
        %gather3A_259 = tpu.memref_squeeze %gather3A_258 : memref<1x128x128xf32, #tpu.memory_space<vmem>> -> memref<128x128xf32, #tpu.memory_space<vmem>>
        %gather3A_260 = tpu.vector_load_idx %gather3A_259[%add3A_5, %add3A_250] : memref<128x128xf32, #tpu.memory_space<vmem>>[vector<16xi32>, vector<16xi32>], vector<16xf32>,
        tpu.vector_store_idx %arg7[%add3A_199, %broadcast_in_dim3A_27, %shift_right_arithmetic3A_253, %broadcast_in_dim3A_27, %and3A_256, %add3A_5], %gather3A_260 : memref<2x1x8x1x8x128xf32, #tpu.memory_space<vmem>>[vector<16xi32>, vector<16xi32>, vector<16xi32>, vector<16xi32>, vector<16xi32>, vector<16xi32>], vector<16xf32>,
        %gather3A_261 = arith.constant 0 : i32
        %gather3A_262 = arith.constant 0 : i32
        %gather3A_263 = tpu.memref_slice %arg6[%scan3A_201, %gather3A_261, %gather3A_262] : memref<2x128x128xf32, #tpu.memory_space<vmem>> -> memref<1x128x128xf32, #tpu.memory_space<vmem>>
        %gather3A_264 = tpu.memref_squeeze %gather3A_263 : memref<1x128x128xf32, #tpu.memory_space<vmem>> -> memref<128x128xf32, #tpu.memory_space<vmem>>
        %gather3A_265 = tpu.vector_load_idx %gather3A_264[%add3A_8, %add3A_250] : memref<128x128xf32, #tpu.memory_space<vmem>>[vector<16xi32>, vector<16xi32>], vector<16xf32>,
        tpu.vector_store_idx %arg7[%add3A_199, %broadcast_in_dim3A_27, %shift_right_arithmetic3A_253, %broadcast_in_dim3A_27, %and3A_256, %add3A_8], %gather3A_265 : memref<2x1x8x1x8x128xf32, #tpu.memory_space<vmem>>[vector<16xi32>, vector<16xi32>, vector<16xi32>, vector<16xi32>, vector<16xi32>, vector<16xi32>], vector<16xf32>,
        %gather3A_266 = arith.constant 0 : i32
        %gather3A_267 = arith.constant 0 : i32
        %gather3A_268 = tpu.memref_slice %arg6[%scan3A_201, %gather3A_266, %gather3A_267] : memref<2x128x128xf32, #tpu.memory_space<vmem>> -> memref<1x128x128xf32, #tpu.memory_space<vmem>>
        %gather3A_269 = tpu.memref_squeeze %gather3A_268 : memref<1x128x128xf32, #tpu.memory_space<vmem>> -> memref<128x128xf32, #tpu.memory_space<vmem>>
        %gather3A_270 = tpu.vector_load_idx %gather3A_269[%add3A_11, %add3A_250] : memref<128x128xf32, #tpu.memory_space<vmem>>[vector<16xi32>, vector<16xi32>], vector<16xf32>,
        tpu.vector_store_idx %arg7[%add3A_199, %broadcast_in_dim3A_27, %shift_right_arithmetic3A_253, %broadcast_in_dim3A_27, %and3A_256, %add3A_11], %gather3A_270 : memref<2x1x8x1x8x128xf32, #tpu.memory_space<vmem>>[vector<16xi32>, vector<16xi32>, vector<16xi32>, vector<16xi32>, vector<16xi32>, vector<16xi32>], vector<16xf32>,
        %gather3A_271 = arith.constant 0 : i32
        %gather3A_272 = arith.constant 0 : i32
        %gather3A_273 = tpu.memref_slice %arg6[%scan3A_201, %gather3A_271, %gather3A_272] : memref<2x128x128xf32, #tpu.memory_space<vmem>> -> memref<1x128x128xf32, #tpu.memory_space<vmem>>
        %gather3A_274 = tpu.memref_squeeze %gather3A_273 : memref<1x128x128xf32, #tpu.memory_space<vmem>> -> memref<128x128xf32, #tpu.memory_space<vmem>>
        %gather3A_275 = tpu.vector_load_idx %gather3A_274[%add3A_14, %add3A_250] : memref<128x128xf32, #tpu.memory_space<vmem>>[vector<16xi32>, vector<16xi32>], vector<16xf32>,
        tpu.vector_store_idx %arg7[%add3A_199, %broadcast_in_dim3A_27, %shift_right_arithmetic3A_253, %broadcast_in_dim3A_27, %and3A_256, %add3A_14], %gather3A_275 : memref<2x1x8x1x8x128xf32, #tpu.memory_space<vmem>>[vector<16xi32>, vector<16xi32>, vector<16xi32>, vector<16xi32>, vector<16xi32>, vector<16xi32>], vector<16xf32>,
        %gather3A_276 = arith.constant 0 : i32
        %gather3A_277 = arith.constant 0 : i32
        %gather3A_278 = tpu.memref_slice %arg6[%scan3A_201, %gather3A_276, %gather3A_277] : memref<2x128x128xf32, #tpu.memory_space<vmem>> -> memref<1x128x128xf32, #tpu.memory_space<vmem>>
        %gather3A_279 = tpu.memref_squeeze %gather3A_278 : memref<1x128x128xf32, #tpu.memory_space<vmem>> -> memref<128x128xf32, #tpu.memory_space<vmem>>
        %gather3A_280 = tpu.vector_load_idx %gather3A_279[%add3A_17, %add3A_250] : memref<128x128xf32, #tpu.memory_space<vmem>>[vector<16xi32>, vector<16xi32>], vector<16xf32>,
        tpu.vector_store_idx %arg7[%add3A_199, %broadcast_in_dim3A_27, %shift_right_arithmetic3A_253, %broadcast_in_dim3A_27, %and3A_256, %add3A_17], %gather3A_280 : memref<2x1x8x1x8x128xf32, #tpu.memory_space<vmem>>[vector<16xi32>, vector<16xi32>, vector<16xi32>, vector<16xi32>, vector<16xi32>, vector<16xi32>], vector<16xf32>,
        %gather3A_281 = arith.constant 0 : i32
        %gather3A_282 = arith.constant 0 : i32
        %gather3A_283 = tpu.memref_slice %arg6[%scan3A_201, %gather3A_281, %gather3A_282] : memref<2x128x128xf32, #tpu.memory_space<vmem>> -> memref<1x128x128xf32, #tpu.memory_space<vmem>>
        %gather3A_284 = tpu.memref_squeeze %gather3A_283 : memref<1x128x128xf32, #tpu.memory_space<vmem>> -> memref<128x128xf32, #tpu.memory_space<vmem>>
        %gather3A_285 = tpu.vector_load_idx %gather3A_284[%add3A_20, %add3A_250] : memref<128x128xf32, #tpu.memory_space<vmem>>[vector<16xi32>, vector<16xi32>], vector<16xf32>,
        tpu.vector_store_idx %arg7[%add3A_199, %broadcast_in_dim3A_27, %shift_right_arithmetic3A_253, %broadcast_in_dim3A_27, %and3A_256, %add3A_20], %gather3A_285 : memref<2x1x8x1x8x128xf32, #tpu.memory_space<vmem>>[vector<16xi32>, vector<16xi32>, vector<16xi32>, vector<16xi32>, vector<16xi32>, vector<16xi32>], vector<16xf32>,
        %gather3A_286 = arith.constant 0 : i32
        %gather3A_287 = arith.constant 0 : i32
        %gather3A_288 = tpu.memref_slice %arg6[%scan3A_201, %gather3A_286, %gather3A_287] : memref<2x128x128xf32, #tpu.memory_space<vmem>> -> memref<1x128x128xf32, #tpu.memory_space<vmem>>
        %gather3A_289 = tpu.memref_squeeze %gather3A_288 : memref<1x128x128xf32, #tpu.memory_space<vmem>> -> memref<128x128xf32, #tpu.memory_space<vmem>>
        %gather3A_290 = tpu.vector_load_idx %gather3A_289[%add3A_23, %add3A_250] : memref<128x128xf32, #tpu.memory_space<vmem>>[vector<16xi32>, vector<16xi32>], vector<16xf32>,
        tpu.vector_store_idx %arg7[%add3A_199, %broadcast_in_dim3A_27, %shift_right_arithmetic3A_253, %broadcast_in_dim3A_27, %and3A_256, %add3A_23], %gather3A_290 : memref<2x1x8x1x8x128xf32, #tpu.memory_space<vmem>>[vector<16xi32>, vector<16xi32>, vector<16xi32>, vector<16xi32>, vector<16xi32>, vector<16xi32>], vector<16xf32>,
        %gather3A_291 = arith.constant 0 : i32
        %gather3A_292 = arith.constant 0 : i32
        %gather3A_293 = tpu.memref_slice %arg6[%scan3A_201, %gather3A_291, %gather3A_292] : memref<2x128x128xf32, #tpu.memory_space<vmem>> -> memref<1x128x128xf32, #tpu.memory_space<vmem>>
        %gather3A_294 = tpu.memref_squeeze %gather3A_293 : memref<1x128x128xf32, #tpu.memory_space<vmem>> -> memref<128x128xf32, #tpu.memory_space<vmem>>
        %gather3A_295 = tpu.vector_load_idx %gather3A_294[%add3A_26, %add3A_250] : memref<128x128xf32, #tpu.memory_space<vmem>>[vector<16xi32>, vector<16xi32>], vector<16xf32>,
        tpu.vector_store_idx %arg7[%add3A_199, %broadcast_in_dim3A_27, %shift_right_arithmetic3A_253, %broadcast_in_dim3A_27, %and3A_256, %add3A_26], %gather3A_295 : memref<2x1x8x1x8x128xf32, #tpu.memory_space<vmem>>[vector<16xi32>, vector<16xi32>, vector<16xi32>, vector<16xi32>, vector<16xi32>, vector<16xi32>], vector<16xf32>,
        %add3A_296 = arith.constant 16 : i32
        %add3A_297 = vector.broadcast %add3A_296 : i32 to vector<16xi32>
        %add3A_298 = arith.addi %and3A_247, %add3A_297 : vector<16xi32>
        %shift_right_arithmetic3A_299 = arith.constant 3 : i32
        %shift_right_arithmetic3A_300 = vector.broadcast %shift_right_arithmetic3A_299 : i32 to vector<16xi32>
        %shift_right_arithmetic3A_301 = arith.shrsi %add3A_298, %shift_right_arithmetic3A_300 : vector<16xi32>
        %and3A_302 = arith.constant 7 : i32
        %and3A_303 = vector.broadcast %and3A_302 : i32 to vector<16xi32>
        %and3A_304 = arith.andi %add3A_298, %and3A_303 : vector<16xi32>
        %gather3A_305 = arith.constant 0 : i32
        %gather3A_306 = arith.constant 0 : i32
        %gather3A_307 = tpu.memref_slice %arg6[%scan3A_201, %gather3A_305, %gather3A_306] : memref<2x128x128xf32, #tpu.memory_space<vmem>> -> memref<1x128x128xf32, #tpu.memory_space<vmem>>
        %gather3A_308 = tpu.memref_squeeze %gather3A_307 : memref<1x128x128xf32, #tpu.memory_space<vmem>> -> memref<128x128xf32, #tpu.memory_space<vmem>>
        %gather3A_309 = tpu.vector_load_idx %gather3A_308[%add3A_5, %add3A_298] : memref<128x128xf32, #tpu.memory_space<vmem>>[vector<16xi32>, vector<16xi32>], vector<16xf32>,
        tpu.vector_store_idx %arg7[%add3A_199, %broadcast_in_dim3A_27, %shift_right_arithmetic3A_301, %broadcast_in_dim3A_27, %and3A_304, %add3A_5], %gather3A_309 : memref<2x1x8x1x8x128xf32, #tpu.memory_space<vmem>>[vector<16xi32>, vector<16xi32>, vector<16xi32>, vector<16xi32>, vector<16xi32>, vector<16xi32>], vector<16xf32>,
        %gather3A_310 = arith.constant 0 : i32
        %gather3A_311 = arith.constant 0 : i32
        %gather3A_312 = tpu.memref_slice %arg6[%scan3A_201, %gather3A_310, %gather3A_311] : memref<2x128x128xf32, #tpu.memory_space<vmem>> -> memref<1x128x128xf32, #tpu.memory_space<vmem>>
        %gather3A_313 = tpu.memref_squeeze %gather3A_312 : memref<1x128x128xf32, #tpu.memory_space<vmem>> -> memref<128x128xf32, #tpu.memory_space<vmem>>
        %gather3A_314 = tpu.vector_load_idx %gather3A_313[%add3A_8, %add3A_298] : memref<128x128xf32, #tpu.memory_space<vmem>>[vector<16xi32>, vector<16xi32>], vector<16xf32>,
        tpu.vector_store_idx %arg7[%add3A_199, %broadcast_in_dim3A_27, %shift_right_arithmetic3A_301, %broadcast_in_dim3A_27, %and3A_304, %add3A_8], %gather3A_314 : memref<2x1x8x1x8x128xf32, #tpu.memory_space<vmem>>[vector<16xi32>, vector<16xi32>, vector<16xi32>, vector<16xi32>, vector<16xi32>, vector<16xi32>], vector<16xf32>,
        %gather3A_315 = arith.constant 0 : i32
        %gather3A_316 = arith.constant 0 : i32
        %gather3A_317 = tpu.memref_slice %arg6[%scan3A_201, %gather3A_315, %gather3A_316] : memref<2x128x128xf32, #tpu.memory_space<vmem>> -> memref<1x128x128xf32, #tpu.memory_space<vmem>>
        %gather3A_318 = tpu.memref_squeeze %gather3A_317 : memref<1x128x128xf32, #tpu.memory_space<vmem>> -> memref<128x128xf32, #tpu.memory_space<vmem>>
        %gather3A_319 = tpu.vector_load_idx %gather3A_318[%add3A_11, %add3A_298] : memref<128x128xf32, #tpu.memory_space<vmem>>[vector<16xi32>, vector<16xi32>], vector<16xf32>,
        tpu.vector_store_idx %arg7[%add3A_199, %broadcast_in_dim3A_27, %shift_right_arithmetic3A_301, %broadcast_in_dim3A_27, %and3A_304, %add3A_11], %gather3A_319 : memref<2x1x8x1x8x128xf32, #tpu.memory_space<vmem>>[vector<16xi32>, vector<16xi32>, vector<16xi32>, vector<16xi32>, vector<16xi32>, vector<16xi32>], vector<16xf32>,
        %gather3A_320 = arith.constant 0 : i32
        %gather3A_321 = arith.constant 0 : i32
        %gather3A_322 = tpu.memref_slice %arg6[%scan3A_201, %gather3A_320, %gather3A_321] : memref<2x128x128xf32, #tpu.memory_space<vmem>> -> memref<1x128x128xf32, #tpu.memory_space<vmem>>
        %gather3A_323 = tpu.memref_squeeze %gather3A_322 : memref<1x128x128xf32, #tpu.memory_space<vmem>> -> memref<128x128xf32, #tpu.memory_space<vmem>>
        %gather3A_324 = tpu.vector_load_idx %gather3A_323[%add3A_14, %add3A_298] : memref<128x128xf32, #tpu.memory_space<vmem>>[vector<16xi32>, vector<16xi32>], vector<16xf32>,
        tpu.vector_store_idx %arg7[%add3A_199, %broadcast_in_dim3A_27, %shift_right_arithmetic3A_301, %broadcast_in_dim3A_27, %and3A_304, %add3A_14], %gather3A_324 : memref<2x1x8x1x8x128xf32, #tpu.memory_space<vmem>>[vector<16xi32>, vector<16xi32>, vector<16xi32>, vector<16xi32>, vector<16xi32>, vector<16xi32>], vector<16xf32>,
        %gather3A_325 = arith.constant 0 : i32
        %gather3A_326 = arith.constant 0 : i32
        %gather3A_327 = tpu.memref_slice %arg6[%scan3A_201, %gather3A_325, %gather3A_326] : memref<2x128x128xf32, #tpu.memory_space<vmem>> -> memref<1x128x128xf32, #tpu.memory_space<vmem>>
        %gather3A_328 = tpu.memref_squeeze %gather3A_327 : memref<1x128x128xf32, #tpu.memory_space<vmem>> -> memref<128x128xf32, #tpu.memory_space<vmem>>
        %gather3A_329 = tpu.vector_load_idx %gather3A_328[%add3A_17, %add3A_298] : memref<128x128xf32, #tpu.memory_space<vmem>>[vector<16xi32>, vector<16xi32>], vector<16xf32>,
        tpu.vector_store_idx %arg7[%add3A_199, %broadcast_in_dim3A_27, %shift_right_arithmetic3A_301, %broadcast_in_dim3A_27, %and3A_304, %add3A_17], %gather3A_329 : memref<2x1x8x1x8x128xf32, #tpu.memory_space<vmem>>[vector<16xi32>, vector<16xi32>, vector<16xi32>, vector<16xi32>, vector<16xi32>, vector<16xi32>], vector<16xf32>,
        %gather3A_330 = arith.constant 0 : i32
        %gather3A_331 = arith.constant 0 : i32
        %gather3A_332 = tpu.memref_slice %arg6[%scan3A_201, %gather3A_330, %gather3A_331] : memref<2x128x128xf32, #tpu.memory_space<vmem>> -> memref<1x128x128xf32, #tpu.memory_space<vmem>>
        %gather3A_333 = tpu.memref_squeeze %gather3A_332 : memref<1x128x128xf32, #tpu.memory_space<vmem>> -> memref<128x128xf32, #tpu.memory_space<vmem>>
        %gather3A_334 = tpu.vector_load_idx %gather3A_333[%add3A_20, %add3A_298] : memref<128x128xf32, #tpu.memory_space<vmem>>[vector<16xi32>, vector<16xi32>], vector<16xf32>,
        tpu.vector_store_idx %arg7[%add3A_199, %broadcast_in_dim3A_27, %shift_right_arithmetic3A_301, %broadcast_in_dim3A_27, %and3A_304, %add3A_20], %gather3A_334 : memref<2x1x8x1x8x128xf32, #tpu.memory_space<vmem>>[vector<16xi32>, vector<16xi32>, vector<16xi32>, vector<16xi32>, vector<16xi32>, vector<16xi32>], vector<16xf32>,
        %gather3A_335 = arith.constant 0 : i32
        %gather3A_336 = arith.constant 0 : i32
        %gather3A_337 = tpu.memref_slice %arg6[%scan3A_201, %gather3A_335, %gather3A_336] : memref<2x128x128xf32, #tpu.memory_space<vmem>> -> memref<1x128x128xf32, #tpu.memory_space<vmem>>
        %gather3A_338 = tpu.memref_squeeze %gather3A_337 : memref<1x128x128xf32, #tpu.memory_space<vmem>> -> memref<128x128xf32, #tpu.memory_space<vmem>>
        %gather3A_339 = tpu.vector_load_idx %gather3A_338[%add3A_23, %add3A_298] : memref<128x128xf32, #tpu.memory_space<vmem>>[vector<16xi32>, vector<16xi32>], vector<16xf32>,
        tpu.vector_store_idx %arg7[%add3A_199, %broadcast_in_dim3A_27, %shift_right_arithmetic3A_301, %broadcast_in_dim3A_27, %and3A_304, %add3A_23], %gather3A_339 : memref<2x1x8x1x8x128xf32, #tpu.memory_space<vmem>>[vector<16xi32>, vector<16xi32>, vector<16xi32>, vector<16xi32>, vector<16xi32>, vector<16xi32>], vector<16xf32>,
        %gather3A_340 = arith.constant 0 : i32
        %gather3A_341 = arith.constant 0 : i32
        %gather3A_342 = tpu.memref_slice %arg6[%scan3A_201, %gather3A_340, %gather3A_341] : memref<2x128x128xf32, #tpu.memory_space<vmem>> -> memref<1x128x128xf32, #tpu.memory_space<vmem>>
        %gather3A_343 = tpu.memref_squeeze %gather3A_342 : memref<1x128x128xf32, #tpu.memory_space<vmem>> -> memref<128x128xf32, #tpu.memory_space<vmem>>
        %gather3A_344 = tpu.vector_load_idx %gather3A_343[%add3A_26, %add3A_298] : memref<128x128xf32, #tpu.memory_space<vmem>>[vector<16xi32>, vector<16xi32>], vector<16xf32>,
        tpu.vector_store_idx %arg7[%add3A_199, %broadcast_in_dim3A_27, %shift_right_arithmetic3A_301, %broadcast_in_dim3A_27, %and3A_304, %add3A_26], %gather3A_344 : memref<2x1x8x1x8x128xf32, #tpu.memory_space<vmem>>[vector<16xi32>, vector<16xi32>, vector<16xi32>, vector<16xi32>, vector<16xi32>, vector<16xi32>], vector<16xf32>,
        %add3A_345 = arith.constant 32 : i32
        %add3A_346 = vector.broadcast %add3A_345 : i32 to vector<16xi32>
        %add3A_347 = arith.addi %and3A_247, %add3A_346 : vector<16xi32>
        %shift_right_arithmetic3A_348 = arith.constant 3 : i32
        %shift_right_arithmetic3A_349 = vector.broadcast %shift_right_arithmetic3A_348 : i32 to vector<16xi32>
        %shift_right_arithmetic3A_350 = arith.shrsi %add3A_347, %shift_right_arithmetic3A_349 : vector<16xi32>
        %and3A_351 = arith.constant 7 : i32
        %and3A_352 = vector.broadcast %and3A_351 : i32 to vector<16xi32>
        %and3A_353 = arith.andi %add3A_347, %and3A_352 : vector<16xi32>
        %gather3A_354 = arith.constant 0 : i32
        %gather3A_355 = arith.constant 0 : i32
        %gather3A_356 = tpu.memref_slice %arg6[%scan3A_201, %gather3A_354, %gather3A_355] : memref<2x128x128xf32, #tpu.memory_space<vmem>> -> memref<1x128x128xf32, #tpu.memory_space<vmem>>
        %gather3A_357 = tpu.memref_squeeze %gather3A_356 : memref<1x128x128xf32, #tpu.memory_space<vmem>> -> memref<128x128xf32, #tpu.memory_space<vmem>>
        %gather3A_358 = tpu.vector_load_idx %gather3A_357[%add3A_5, %add3A_347] : memref<128x128xf32, #tpu.memory_space<vmem>>[vector<16xi32>, vector<16xi32>], vector<16xf32>,
        tpu.vector_store_idx %arg7[%add3A_199, %broadcast_in_dim3A_27, %shift_right_arithmetic3A_350, %broadcast_in_dim3A_27, %and3A_353, %add3A_5], %gather3A_358 : memref<2x1x8x1x8x128xf32, #tpu.memory_space<vmem>>[vector<16xi32>, vector<16xi32>, vector<16xi32>, vector<16xi32>, vector<16xi32>, vector<16xi32>], vector<16xf32>,
        %gather3A_359 = arith.constant 0 : i32
        %gather3A_360 = arith.constant 0 : i32
        %gather3A_361 = tpu.memref_slice %arg6[%scan3A_201, %gather3A_359, %gather3A_360] : memref<2x128x128xf32, #tpu.memory_space<vmem>> -> memref<1x128x128xf32, #tpu.memory_space<vmem>>
        %gather3A_362 = tpu.memref_squeeze %gather3A_361 : memref<1x128x128xf32, #tpu.memory_space<vmem>> -> memref<128x128xf32, #tpu.memory_space<vmem>>
        %gather3A_363 = tpu.vector_load_idx %gather3A_362[%add3A_8, %add3A_347] : memref<128x128xf32, #tpu.memory_space<vmem>>[vector<16xi32>, vector<16xi32>], vector<16xf32>,
        tpu.vector_store_idx %arg7[%add3A_199, %broadcast_in_dim3A_27, %shift_right_arithmetic3A_350, %broadcast_in_dim3A_27, %and3A_353, %add3A_8], %gather3A_363 : memref<2x1x8x1x8x128xf32, #tpu.memory_space<vmem>>[vector<16xi32>, vector<16xi32>, vector<16xi32>, vector<16xi32>, vector<16xi32>, vector<16xi32>], vector<16xf32>,
        %gather3A_364 = arith.constant 0 : i32
        %gather3A_365 = arith.constant 0 : i32
        %gather3A_366 = tpu.memref_slice %arg6[%scan3A_201, %gather3A_364, %gather3A_365] : memref<2x128x128xf32, #tpu.memory_space<vmem>> -> memref<1x128x128xf32, #tpu.memory_space<vmem>>
        %gather3A_367 = tpu.memref_squeeze %gather3A_366 : memref<1x128x128xf32, #tpu.memory_space<vmem>> -> memref<128x128xf32, #tpu.memory_space<vmem>>
        %gather3A_368 = tpu.vector_load_idx %gather3A_367[%add3A_11, %add3A_347] : memref<128x128xf32, #tpu.memory_space<vmem>>[vector<16xi32>, vector<16xi32>], vector<16xf32>,
        tpu.vector_store_idx %arg7[%add3A_199, %broadcast_in_dim3A_27, %shift_right_arithmetic3A_350, %broadcast_in_dim3A_27, %and3A_353, %add3A_11], %gather3A_368 : memref<2x1x8x1x8x128xf32, #tpu.memory_space<vmem>>[vector<16xi32>, vector<16xi32>, vector<16xi32>, vector<16xi32>, vector<16xi32>, vector<16xi32>], vector<16xf32>,
        %gather3A_369 = arith.constant 0 : i32
        %gather3A_370 = arith.constant 0 : i32
        %gather3A_371 = tpu.memref_slice %arg6[%scan3A_201, %gather3A_369, %gather3A_370] : memref<2x128x128xf32, #tpu.memory_space<vmem>> -> memref<1x128x128xf32, #tpu.memory_space<vmem>>
        %gather3A_372 = tpu.memref_squeeze %gather3A_371 : memref<1x128x128xf32, #tpu.memory_space<vmem>> -> memref<128x128xf32, #tpu.memory_space<vmem>>
        %gather3A_373 = tpu.vector_load_idx %gather3A_372[%add3A_14, %add3A_347] : memref<128x128xf32, #tpu.memory_space<vmem>>[vector<16xi32>, vector<16xi32>], vector<16xf32>,
        tpu.vector_store_idx %arg7[%add3A_199, %broadcast_in_dim3A_27, %shift_right_arithmetic3A_350, %broadcast_in_dim3A_27, %and3A_353, %add3A_14], %gather3A_373 : memref<2x1x8x1x8x128xf32, #tpu.memory_space<vmem>>[vector<16xi32>, vector<16xi32>, vector<16xi32>, vector<16xi32>, vector<16xi32>, vector<16xi32>], vector<16xf32>,
        %gather3A_374 = arith.constant 0 : i32
        %gather3A_375 = arith.constant 0 : i32
        %gather3A_376 = tpu.memref_slice %arg6[%scan3A_201, %gather3A_374, %gather3A_375] : memref<2x128x128xf32, #tpu.memory_space<vmem>> -> memref<1x128x128xf32, #tpu.memory_space<vmem>>
        %gather3A_377 = tpu.memref_squeeze %gather3A_376 : memref<1x128x128xf32, #tpu.memory_space<vmem>> -> memref<128x128xf32, #tpu.memory_space<vmem>>
        %gather3A_378 = tpu.vector_load_idx %gather3A_377[%add3A_17, %add3A_347] : memref<128x128xf32, #tpu.memory_space<vmem>>[vector<16xi32>, vector<16xi32>], vector<16xf32>,
        tpu.vector_store_idx %arg7[%add3A_199, %broadcast_in_dim3A_27, %shift_right_arithmetic3A_350, %broadcast_in_dim3A_27, %and3A_353, %add3A_17], %gather3A_378 : memref<2x1x8x1x8x128xf32, #tpu.memory_space<vmem>>[vector<16xi32>, vector<16xi32>, vector<16xi32>, vector<16xi32>, vector<16xi32>, vector<16xi32>], vector<16xf32>,
        %gather3A_379 = arith.constant 0 : i32
        %gather3A_380 = arith.constant 0 : i32
        %gather3A_381 = tpu.memref_slice %arg6[%scan3A_201, %gather3A_379, %gather3A_380] : memref<2x128x128xf32, #tpu.memory_space<vmem>> -> memref<1x128x128xf32, #tpu.memory_space<vmem>>
        %gather3A_382 = tpu.memref_squeeze %gather3A_381 : memref<1x128x128xf32, #tpu.memory_space<vmem>> -> memref<128x128xf32, #tpu.memory_space<vmem>>
        %gather3A_383 = tpu.vector_load_idx %gather3A_382[%add3A_20, %add3A_347] : memref<128x128xf32, #tpu.memory_space<vmem>>[vector<16xi32>, vector<16xi32>], vector<16xf32>,
        tpu.vector_store_idx %arg7[%add3A_199, %broadcast_in_dim3A_27, %shift_right_arithmetic3A_350, %broadcast_in_dim3A_27, %and3A_353, %add3A_20], %gather3A_383 : memref<2x1x8x1x8x128xf32, #tpu.memory_space<vmem>>[vector<16xi32>, vector<16xi32>, vector<16xi32>, vector<16xi32>, vector<16xi32>, vector<16xi32>], vector<16xf32>,
        %gather3A_384 = arith.constant 0 : i32
        %gather3A_385 = arith.constant 0 : i32
        %gather3A_386 = tpu.memref_slice %arg6[%scan3A_201, %gather3A_384, %gather3A_385] : memref<2x128x128xf32, #tpu.memory_space<vmem>> -> memref<1x128x128xf32, #tpu.memory_space<vmem>>
        %gather3A_387 = tpu.memref_squeeze %gather3A_386 : memref<1x128x128xf32, #tpu.memory_space<vmem>> -> memref<128x128xf32, #tpu.memory_space<vmem>>
        %gather3A_388 = tpu.vector_load_idx %gather3A_387[%add3A_23, %add3A_347] : memref<128x128xf32, #tpu.memory_space<vmem>>[vector<16xi32>, vector<16xi32>], vector<16xf32>,
        tpu.vector_store_idx %arg7[%add3A_199, %broadcast_in_dim3A_27, %shift_right_arithmetic3A_350, %broadcast_in_dim3A_27, %and3A_353, %add3A_23], %gather3A_388 : memref<2x1x8x1x8x128xf32, #tpu.memory_space<vmem>>[vector<16xi32>, vector<16xi32>, vector<16xi32>, vector<16xi32>, vector<16xi32>, vector<16xi32>], vector<16xf32>,
        %gather3A_389 = arith.constant 0 : i32
        %gather3A_390 = arith.constant 0 : i32
        %gather3A_391 = tpu.memref_slice %arg6[%scan3A_201, %gather3A_389, %gather3A_390] : memref<2x128x128xf32, #tpu.memory_space<vmem>> -> memref<1x128x128xf32, #tpu.memory_space<vmem>>
        %gather3A_392 = tpu.memref_squeeze %gather3A_391 : memref<1x128x128xf32, #tpu.memory_space<vmem>> -> memref<128x128xf32, #tpu.memory_space<vmem>>
        %gather3A_393 = tpu.vector_load_idx %gather3A_392[%add3A_26, %add3A_347] : memref<128x128xf32, #tpu.memory_space<vmem>>[vector<16xi32>, vector<16xi32>], vector<16xf32>,
        tpu.vector_store_idx %arg7[%add3A_199, %broadcast_in_dim3A_27, %shift_right_arithmetic3A_350, %broadcast_in_dim3A_27, %and3A_353, %add3A_26], %gather3A_393 : memref<2x1x8x1x8x128xf32, #tpu.memory_space<vmem>>[vector<16xi32>, vector<16xi32>, vector<16xi32>, vector<16xi32>, vector<16xi32>, vector<16xi32>], vector<16xf32>,
        %add3A_394 = arith.constant 48 : i32
        %add3A_395 = vector.broadcast %add3A_394 : i32 to vector<16xi32>
        %add3A_396 = arith.addi %and3A_247, %add3A_395 : vector<16xi32>
        %shift_right_arithmetic3A_397 = arith.constant 3 : i32
        %shift_right_arithmetic3A_398 = vector.broadcast %shift_right_arithmetic3A_397 : i32 to vector<16xi32>
        %shift_right_arithmetic3A_399 = arith.shrsi %add3A_396, %shift_right_arithmetic3A_398 : vector<16xi32>
        %and3A_400 = arith.constant 7 : i32
        %and3A_401 = vector.broadcast %and3A_400 : i32 to vector<16xi32>
        %and3A_402 = arith.andi %add3A_396, %and3A_401 : vector<16xi32>
        %gather3A_403 = arith.constant 0 : i32
        %gather3A_404 = arith.constant 0 : i32
        %gather3A_405 = tpu.memref_slice %arg6[%scan3A_201, %gather3A_403, %gather3A_404] : memref<2x128x128xf32, #tpu.memory_space<vmem>> -> memref<1x128x128xf32, #tpu.memory_space<vmem>>
        %gather3A_406 = tpu.memref_squeeze %gather3A_405 : memref<1x128x128xf32, #tpu.memory_space<vmem>> -> memref<128x128xf32, #tpu.memory_space<vmem>>
        %gather3A_407 = tpu.vector_load_idx %gather3A_406[%add3A_5, %add3A_396] : memref<128x128xf32, #tpu.memory_space<vmem>>[vector<16xi32>, vector<16xi32>], vector<16xf32>,
        tpu.vector_store_idx %arg7[%add3A_199, %broadcast_in_dim3A_27, %shift_right_arithmetic3A_399, %broadcast_in_dim3A_27, %and3A_402, %add3A_5], %gather3A_407 : memref<2x1x8x1x8x128xf32, #tpu.memory_space<vmem>>[vector<16xi32>, vector<16xi32>, vector<16xi32>, vector<16xi32>, vector<16xi32>, vector<16xi32>], vector<16xf32>,
        %gather3A_408 = arith.constant 0 : i32
        %gather3A_409 = arith.constant 0 : i32
        %gather3A_410 = tpu.memref_slice %arg6[%scan3A_201, %gather3A_408, %gather3A_409] : memref<2x128x128xf32, #tpu.memory_space<vmem>> -> memref<1x128x128xf32, #tpu.memory_space<vmem>>
        %gather3A_411 = tpu.memref_squeeze %gather3A_410 : memref<1x128x128xf32, #tpu.memory_space<vmem>> -> memref<128x128xf32, #tpu.memory_space<vmem>>
        %gather3A_412 = tpu.vector_load_idx %gather3A_411[%add3A_8, %add3A_396] : memref<128x128xf32, #tpu.memory_space<vmem>>[vector<16xi32>, vector<16xi32>], vector<16xf32>,
        tpu.vector_store_idx %arg7[%add3A_199, %broadcast_in_dim3A_27, %shift_right_arithmetic3A_399, %broadcast_in_dim3A_27, %and3A_402, %add3A_8], %gather3A_412 : memref<2x1x8x1x8x128xf32, #tpu.memory_space<vmem>>[vector<16xi32>, vector<16xi32>, vector<16xi32>, vector<16xi32>, vector<16xi32>, vector<16xi32>], vector<16xf32>,
        %gather3A_413 = arith.constant 0 : i32
        %gather3A_414 = arith.constant 0 : i32
        %gather3A_415 = tpu.memref_slice %arg6[%scan3A_201, %gather3A_413, %gather3A_414] : memref<2x128x128xf32, #tpu.memory_space<vmem>> -> memref<1x128x128xf32, #tpu.memory_space<vmem>>
        %gather3A_416 = tpu.memref_squeeze %gather3A_415 : memref<1x128x128xf32, #tpu.memory_space<vmem>> -> memref<128x128xf32, #tpu.memory_space<vmem>>
        %gather3A_417 = tpu.vector_load_idx %gather3A_416[%add3A_11, %add3A_396] : memref<128x128xf32, #tpu.memory_space<vmem>>[vector<16xi32>, vector<16xi32>], vector<16xf32>,
        tpu.vector_store_idx %arg7[%add3A_199, %broadcast_in_dim3A_27, %shift_right_arithmetic3A_399, %broadcast_in_dim3A_27, %and3A_402, %add3A_11], %gather3A_417 : memref<2x1x8x1x8x128xf32, #tpu.memory_space<vmem>>[vector<16xi32>, vector<16xi32>, vector<16xi32>, vector<16xi32>, vector<16xi32>, vector<16xi32>], vector<16xf32>,
        %gather3A_418 = arith.constant 0 : i32
        %gather3A_419 = arith.constant 0 : i32
        %gather3A_420 = tpu.memref_slice %arg6[%scan3A_201, %gather3A_418, %gather3A_419] : memref<2x128x128xf32, #tpu.memory_space<vmem>> -> memref<1x128x128xf32, #tpu.memory_space<vmem>>
        %gather3A_421 = tpu.memref_squeeze %gather3A_420 : memref<1x128x128xf32, #tpu.memory_space<vmem>> -> memref<128x128xf32, #tpu.memory_space<vmem>>
        %gather3A_422 = tpu.vector_load_idx %gather3A_421[%add3A_14, %add3A_396] : memref<128x128xf32, #tpu.memory_space<vmem>>[vector<16xi32>, vector<16xi32>], vector<16xf32>,
        tpu.vector_store_idx %arg7[%add3A_199, %broadcast_in_dim3A_27, %shift_right_arithmetic3A_399, %broadcast_in_dim3A_27, %and3A_402, %add3A_14], %gather3A_422 : memref<2x1x8x1x8x128xf32, #tpu.memory_space<vmem>>[vector<16xi32>, vector<16xi32>, vector<16xi32>, vector<16xi32>, vector<16xi32>, vector<16xi32>], vector<16xf32>,
        %gather3A_423 = arith.constant 0 : i32
        %gather3A_424 = arith.constant 0 : i32
        %gather3A_425 = tpu.memref_slice %arg6[%scan3A_201, %gather3A_423, %gather3A_424] : memref<2x128x128xf32, #tpu.memory_space<vmem>> -> memref<1x128x128xf32, #tpu.memory_space<vmem>>
        %gather3A_426 = tpu.memref_squeeze %gather3A_425 : memref<1x128x128xf32, #tpu.memory_space<vmem>> -> memref<128x128xf32, #tpu.memory_space<vmem>>
        %gather3A_427 = tpu.vector_load_idx %gather3A_426[%add3A_17, %add3A_396] : memref<128x128xf32, #tpu.memory_space<vmem>>[vector<16xi32>, vector<16xi32>], vector<16xf32>,
        tpu.vector_store_idx %arg7[%add3A_199, %broadcast_in_dim3A_27, %shift_right_arithmetic3A_399, %broadcast_in_dim3A_27, %and3A_402, %add3A_17], %gather3A_427 : memref<2x1x8x1x8x128xf32, #tpu.memory_space<vmem>>[vector<16xi32>, vector<16xi32>, vector<16xi32>, vector<16xi32>, vector<16xi32>, vector<16xi32>], vector<16xf32>,
        %gather3A_428 = arith.constant 0 : i32
        %gather3A_429 = arith.constant 0 : i32
        %gather3A_430 = tpu.memref_slice %arg6[%scan3A_201, %gather3A_428, %gather3A_429] : memref<2x128x128xf32, #tpu.memory_space<vmem>> -> memref<1x128x128xf32, #tpu.memory_space<vmem>>
        %gather3A_431 = tpu.memref_squeeze %gather3A_430 : memref<1x128x128xf32, #tpu.memory_space<vmem>> -> memref<128x128xf32, #tpu.memory_space<vmem>>
        %gather3A_432 = tpu.vector_load_idx %gather3A_431[%add3A_20, %add3A_396] : memref<128x128xf32, #tpu.memory_space<vmem>>[vector<16xi32>, vector<16xi32>], vector<16xf32>,
        tpu.vector_store_idx %arg7[%add3A_199, %broadcast_in_dim3A_27, %shift_right_arithmetic3A_399, %broadcast_in_dim3A_27, %and3A_402, %add3A_20], %gather3A_432 : memref<2x1x8x1x8x128xf32, #tpu.memory_space<vmem>>[vector<16xi32>, vector<16xi32>, vector<16xi32>, vector<16xi32>, vector<16xi32>, vector<16xi32>], vector<16xf32>,
        %gather3A_433 = arith.constant 0 : i32
        %gather3A_434 = arith.constant 0 : i32
        %gather3A_435 = tpu.memref_slice %arg6[%scan3A_201, %gather3A_433, %gather3A_434] : memref<2x128x128xf32, #tpu.memory_space<vmem>> -> memref<1x128x128xf32, #tpu.memory_space<vmem>>
        %gather3A_436 = tpu.memref_squeeze %gather3A_435 : memref<1x128x128xf32, #tpu.memory_space<vmem>> -> memref<128x128xf32, #tpu.memory_space<vmem>>
        %gather3A_437 = tpu.vector_load_idx %gather3A_436[%add3A_23, %add3A_396] : memref<128x128xf32, #tpu.memory_space<vmem>>[vector<16xi32>, vector<16xi32>], vector<16xf32>,
        tpu.vector_store_idx %arg7[%add3A_199, %broadcast_in_dim3A_27, %shift_right_arithmetic3A_399, %broadcast_in_dim3A_27, %and3A_402, %add3A_23], %gather3A_437 : memref<2x1x8x1x8x128xf32, #tpu.memory_space<vmem>>[vector<16xi32>, vector<16xi32>, vector<16xi32>, vector<16xi32>, vector<16xi32>, vector<16xi32>], vector<16xf32>,
        %gather3A_438 = arith.constant 0 : i32
        %gather3A_439 = arith.constant 0 : i32
        %gather3A_440 = tpu.memref_slice %arg6[%scan3A_201, %gather3A_438, %gather3A_439] : memref<2x128x128xf32, #tpu.memory_space<vmem>> -> memref<1x128x128xf32, #tpu.memory_space<vmem>>
        %gather3A_441 = tpu.memref_squeeze %gather3A_440 : memref<1x128x128xf32, #tpu.memory_space<vmem>> -> memref<128x128xf32, #tpu.memory_space<vmem>>
        %gather3A_442 = tpu.vector_load_idx %gather3A_441[%add3A_26, %add3A_396] : memref<128x128xf32, #tpu.memory_space<vmem>>[vector<16xi32>, vector<16xi32>], vector<16xf32>,
        tpu.vector_store_idx %arg7[%add3A_199, %broadcast_in_dim3A_27, %shift_right_arithmetic3A_399, %broadcast_in_dim3A_27, %and3A_402, %add3A_26], %gather3A_442 : memref<2x1x8x1x8x128xf32, #tpu.memory_space<vmem>>[vector<16xi32>, vector<16xi32>, vector<16xi32>, vector<16xi32>, vector<16xi32>, vector<16xi32>], vector<16xf32>,
      }
      %scan3A_206 = arith.constant 16 : i32
      %lt3A_207 = arith.constant 39 : i32
      %lt3A_208 = arith.cmpi slt, %scan3A_109, %lt3A_207 : i32
      %convert_element_type3A_209 = arith.extui %lt3A_208 : i1 to i32
      %cond3A_210 = arith.constant 0 : i32
      %cond3A_211 = arith.cmpi ne, %convert_element_type3A_209, %cond3A_210 : i32
      scf.if %cond3A_211 {
        %add3A_242 = arith.constant 2 : i32
        %add3A_243 = arith.addi %add3A_176, %add3A_242 : i32
        %shift_right_arithmetic3A_244 = arith.constant 2 : i32
        %shift_right_arithmetic3A_245 = arith.shrsi %add3A_243, %shift_right_arithmetic3A_244 : i32
        %and3A_246 = arith.constant 3 : i32
        %and3A_247 = arith.andi %add3A_243, %and3A_246 : i32
        %mul3A_248 = arith.constant 128 : i32
        %mul3A_249 = arith.muli %and3A_247, %mul3A_248 : i32
        %dma_start3A_250 = arith.constant 1 : i32
        %dma_start3A_251 = arith.constant 0 : i32
        %dma_start3A_252 = arith.constant 0 : i32
        %dma_start3A_253 = tpu.memref_slice %arg6[%dma_start3A_250, %dma_start3A_251, %dma_start3A_252] : memref<2x128x128xf32, #tpu.memory_space<vmem>> -> memref<1x128x128xf32, #tpu.memory_space<vmem>>
        %dma_start3A_254 = tpu.memref_squeeze %dma_start3A_253 : memref<1x128x128xf32, #tpu.memory_space<vmem>> -> memref<128x128xf32, #tpu.memory_space<vmem>>
        %dma_start3A_255 = tpu.memref_slice %arg5[%shift_right_arithmetic3A_245, %mul3A_249] : memref<20x512xi32, #tpu.memory_space<vmem>> -> memref<1x128xi32, #tpu.memory_space<vmem>>
        %dma_start3A_256 = tpu.memref_squeeze %dma_start3A_255 : memref<1x128xi32, #tpu.memory_space<vmem>> -> memref<128xi32, #tpu.memory_space<vmem>>
        %dma_start3A_257 = arith.constant 0 : i32
        %dma_start3A_258 = arith.constant 0 : i32
        %dma_start3A_259 = tpu.memref_slice %arg3[%dma_start3A_257, %dma_start3A_258] : memref<1000000x128xf32, #tpu.memory_space<hbm>> -> memref<1000000x128xf32, #tpu.memory_space<hbm>>
        tpu.enqueue_indirect_dma source(%dma_start3A_259 : memref<1000000x128xf32, #tpu.memory_space<hbm>>) target(%dma_start3A_254 : memref<128x128xf32, #tpu.memory_space<vmem>>) offsets(%dma_start3A_256 : memref<128xi32, #tpu.memory_space<vmem>>) semaphore(%arg8 : memref<!tpu.dma_semaphore, #tpu.memory_space<semaphore_mem>>)
      } else {
      }
      %shift_right_arithmetic3A_212 = arith.constant 2 : i32
      %shift_right_arithmetic3A_213 = arith.shrsi %add3A_176, %shift_right_arithmetic3A_212 : i32
      %and3A_214 = arith.constant 3 : i32
      %and3A_215 = arith.andi %add3A_176, %and3A_214 : i32
      %mul3A_216 = arith.constant 4 : i32
      %mul3A_217 = arith.muli %add3A, %mul3A_216 : i32
      %add3A_218 = arith.addi %mul3A_217, %and3A_215 : i32
      %dma_start3A_219 = arith.constant 1 : i32
      %dma_start3A_220 = arith.constant 0 : i32
      %dma_start3A_221 = arith.constant 0 : i32
      %dma_start3A_222 = arith.constant 0 : i32
      %dma_start3A_223 = arith.constant 0 : i32
      %dma_start3A_224 = arith.constant 0 : i32
      %dma_start3A_225 = tpu.memref_slice %arg7[%dma_start3A_219, %dma_start3A_220, %dma_start3A_221, %dma_start3A_222, %dma_start3A_223, %dma_start3A_224] : memref<2x1x8x1x8x128xf32, #tpu.memory_space<vmem>> -> memref<1x1x8x1x8x128xf32, #tpu.memory_space<vmem>>
      %dma_start3A_226 = tpu.memref_squeeze %dma_start3A_225 : memref<1x1x8x1x8x128xf32, #tpu.memory_space<vmem>> -> memref<1x8x1x8x128xf32, #tpu.memory_space<vmem>>
      %dma_start3A_227 = arith.constant 0 : i32
      %dma_start3A_228 = arith.constant 0 : i32
      %dma_start3A_229 = arith.constant 0 : i32
      %dma_start3A_230 = tpu.memref_slice %arg4[%shift_right_arithmetic3A_213, %dma_start3A_227, %add3A_218, %dma_start3A_228, %dma_start3A_229] : memref<20x8x128x8x128xf32, #tpu.memory_space<hbm>> -> memref<1x8x1x8x128xf32, #tpu.memory_space<hbm>>
      %dma_start3A_231 = arith.constant 0 : i32
      %dma_start3A_232 = arith.constant 0 : i32
      %dma_start3A_233 = arith.constant 0 : i32
      %dma_start3A_234 = tpu.memref_slice %arg4[%shift_right_arithmetic3A_213, %dma_start3A_231, %add3A_218, %dma_start3A_232, %dma_start3A_233] : memref<20x8x128x8x128xf32, #tpu.memory_space<hbm>> -> memref<1x8x1x8x128xf32, #tpu.memory_space<hbm>>
      %dma_start3A_235 = arith.constant 0 : i32
      %dma_start3A_236 = arith.constant 0 : i32
      %dma_start3A_237 = arith.constant 0 : i32
      %dma_start3A_238 = arith.constant 0 : i32
      %dma_start3A_239 = arith.constant 0 : i32
      %dma_start3A_240 = tpu.memref_slice %arg7[%dma_start3A_219, %dma_start3A_235, %dma_start3A_236, %dma_start3A_237, %dma_start3A_238, %dma_start3A_239] : memref<2x1x8x1x8x128xf32, #tpu.memory_space<vmem>> -> memref<1x1x8x1x8x128xf32, #tpu.memory_space<vmem>>
      %dma_start3A_241 = tpu.memref_squeeze %dma_start3A_240 : memref<1x1x8x1x8x128xf32, #tpu.memory_space<vmem>> -> memref<1x8x1x8x128xf32, #tpu.memory_space<vmem>>
      tpu.enqueue_dma source(%dma_start3A_241 : memref<1x8x1x8x128xf32, #tpu.memory_space<vmem>>) target(%dma_start3A_234 : memref<1x8x1x8x128xf32, #tpu.memory_space<hbm>>) target_semaphore(%arg9 : memref<!tpu.dma_semaphore, #tpu.memory_space<semaphore_mem>>)
    }
    %scan3A_55 = arith.constant 40 : i32
    %dma_wait3A = arith.constant 0 : i32
    %dma_wait3A_56 = arith.constant 0 : i32
    %dma_wait3A_57 = arith.constant 0 : i32
    %dma_wait3A_58 = arith.constant 0 : i32
    %dma_wait3A_59 = arith.constant 0 : i32
    %dma_wait3A_60 = arith.constant 0 : i32
    %dma_wait3A_61 = tpu.memref_slice %arg7[%dma_wait3A, %dma_wait3A_56, %dma_wait3A_57, %dma_wait3A_58, %dma_wait3A_59, %dma_wait3A_60] : memref<2x1x8x1x8x128xf32, #tpu.memory_space<vmem>> -> memref<1x1x8x1x8x128xf32, #tpu.memory_space<vmem>>
    %dma_wait3A_62 = tpu.memref_squeeze %dma_wait3A_61 : memref<1x1x8x1x8x128xf32, #tpu.memory_space<vmem>> -> memref<1x8x1x8x128xf32, #tpu.memory_space<vmem>>
    %dma_wait3A_63 = arith.constant 0 : i32
    %dma_wait3A_64 = arith.constant 0 : i32
    %dma_wait3A_65 = arith.constant 0 : i32
    %dma_wait3A_66 = arith.constant 0 : i32
    %dma_wait3A_67 = arith.constant 0 : i32
    %dma_wait3A_68 = tpu.memref_slice %arg4[%dma_wait3A_63, %dma_wait3A_64, %dma_wait3A_65, %dma_wait3A_66, %dma_wait3A_67] : memref<20x8x128x8x128xf32, #tpu.memory_space<hbm>> -> memref<1x8x1x8x128xf32, #tpu.memory_space<hbm>>
    %dma_wait3A_69 = arith.constant 0 : i32
    %dma_wait3A_70 = arith.constant 0 : i32
    %dma_wait3A_71 = arith.constant 0 : i32
    %dma_wait3A_72 = arith.constant 0 : i32
    %dma_wait3A_73 = arith.constant 0 : i32
    %dma_wait3A_74 = tpu.memref_slice %arg4[%dma_wait3A_69, %dma_wait3A_70, %dma_wait3A_71, %dma_wait3A_72, %dma_wait3A_73] : memref<20x8x128x8x128xf32, #tpu.memory_space<hbm>> -> memref<1x8x1x8x128xf32, #tpu.memory_space<hbm>>
    %dma_wait3A_75 = arith.constant 0 : i32
    %dma_wait3A_76 = arith.constant 0 : i32
    %dma_wait3A_77 = arith.constant 0 : i32
    %dma_wait3A_78 = arith.constant 0 : i32
    %dma_wait3A_79 = arith.constant 0 : i32
    %dma_wait3A_80 = tpu.memref_slice %arg7[%dma_wait3A, %dma_wait3A_75, %dma_wait3A_76, %dma_wait3A_77, %dma_wait3A_78, %dma_wait3A_79] : memref<2x1x8x1x8x128xf32, #tpu.memory_space<vmem>> -> memref<1x1x8x1x8x128xf32, #tpu.memory_space<vmem>>
    %dma_wait3A_81 = tpu.memref_squeeze %dma_wait3A_80 : memref<1x1x8x1x8x128xf32, #tpu.memory_space<vmem>> -> memref<1x8x1x8x128xf32, #tpu.memory_space<vmem>>
    tpu.wait_dma2 semaphore(%arg9 : memref<!tpu.dma_semaphore, #tpu.memory_space<semaphore_mem>>) src(%dma_wait3A_81 : memref<1x8x1x8x128xf32, #tpu.memory_space<vmem>>) dst(%dma_wait3A_74 : memref<1x8x1x8x128xf32, #tpu.memory_space<hbm>>)
    %dma_wait3A_82 = arith.constant 1 : i32
    %dma_wait3A_83 = arith.constant 0 : i32
    %dma_wait3A_84 = arith.constant 0 : i32
    %dma_wait3A_85 = arith.constant 0 : i32
    %dma_wait3A_86 = arith.constant 0 : i32
    %dma_wait3A_87 = arith.constant 0 : i32
    %dma_wait3A_88 = tpu.memref_slice %arg7[%dma_wait3A_82, %dma_wait3A_83, %dma_wait3A_84, %dma_wait3A_85, %dma_wait3A_86, %dma_wait3A_87] : memref<2x1x8x1x8x128xf32, #tpu.memory_space<vmem>> -> memref<1x1x8x1x8x128xf32, #tpu.memory_space<vmem>>
    %dma_wait3A_89 = tpu.memref_squeeze %dma_wait3A_88 : memref<1x1x8x1x8x128xf32, #tpu.memory_space<vmem>> -> memref<1x8x1x8x128xf32, #tpu.memory_space<vmem>>
    %dma_wait3A_90 = arith.constant 0 : i32
    %dma_wait3A_91 = arith.constant 0 : i32
    %dma_wait3A_92 = arith.constant 0 : i32
    %dma_wait3A_93 = arith.constant 0 : i32
    %dma_wait3A_94 = arith.constant 0 : i32
    %dma_wait3A_95 = tpu.memref_slice %arg4[%dma_wait3A_90, %dma_wait3A_91, %dma_wait3A_92, %dma_wait3A_93, %dma_wait3A_94] : memref<20x8x128x8x128xf32, #tpu.memory_space<hbm>> -> memref<1x8x1x8x128xf32, #tpu.memory_space<hbm>>
    %dma_wait3A_96 = arith.constant 0 : i32
    %dma_wait3A_97 = arith.constant 0 : i32
    %dma_wait3A_98 = arith.constant 0 : i32
    %dma_wait3A_99 = arith.constant 0 : i32
    %dma_wait3A_100 = arith.constant 0 : i32
    %dma_wait3A_101 = tpu.memref_slice %arg4[%dma_wait3A_96, %dma_wait3A_97, %dma_wait3A_98, %dma_wait3A_99, %dma_wait3A_100] : memref<20x8x128x8x128xf32, #tpu.memory_space<hbm>> -> memref<1x8x1x8x128xf32, #tpu.memory_space<hbm>>
    %dma_wait3A_102 = arith.constant 0 : i32
    %dma_wait3A_103 = arith.constant 0 : i32
    %dma_wait3A_104 = arith.constant 0 : i32
    %dma_wait3A_105 = arith.constant 0 : i32
    %dma_wait3A_106 = arith.constant 0 : i32
    %dma_wait3A_107 = tpu.memref_slice %arg7[%dma_wait3A_82, %dma_wait3A_102, %dma_wait3A_103, %dma_wait3A_104, %dma_wait3A_105, %dma_wait3A_106] : memref<2x1x8x1x8x128xf32, #tpu.memory_space<vmem>> -> memref<1x1x8x1x8x128xf32, #tpu.memory_space<vmem>>
    %dma_wait3A_108 = tpu.memref_squeeze %dma_wait3A_107 : memref<1x1x8x1x8x128xf32, #tpu.memory_space<vmem>> -> memref<1x8x1x8x128xf32, #tpu.memory_space<vmem>>
    tpu.wait_dma2 semaphore(%arg9 : memref<!tpu.dma_semaphore, #tpu.memory_space<semaphore_mem>>) src(%dma_wait3A_108 : memref<1x8x1x8x128xf32, #tpu.memory_space<vmem>>) dst(%dma_wait3A_101 : memref<1x8x1x8x128xf32, #tpu.memory_space<hbm>>)
    return
  }
}

</mosaic_0001>

<sc_bundles>
// kernel: kernel.3.cloned.1.call-start
scs
__scs_entry_jumppad:
0x0: {  	(pc) =	sbr.rel $0x88, $3  }
0x1: {  	(tag) =	ssettag $0x0;
	lr =	simm.s32 $0x1  }
0x2: {  	[smem:$0x3F9F] =	sst lr;
	_ =	strace $0xD0000000  }
0x3: {  	_ = 	snop  }
0x4: {  	_ = 	snop  }
0x5: {  	_ = 	snop  }
0x6: {  	_ = 	snop  }
0x7: {  	_ = 	snop  }
__scs_overlays_trampoline_lowered:
0x8: {  	[smem:$0x3FAE] =	sst s0  }
0x9: {  	[smem:$0x3FAF] =	sst s1  }
0xa: {  	[smem:$0x3FB0] =	sst s2  }
0xb: {  	[smem:$0x3FB1] =	sst s3  }
0xc: {  	[smem:$0x3FB2] =	sst s4  }
0xd: {  	[smem:$0x3FB3] =	sst s5  }
0xe: {  	[smem:$0x3FB4] =	sst s6  }
0xf: {  	[smem:$0x3FB5] =	sst s7  }
0x10: {  	[smem:$0x3FB6] =	sst s8  }
0x11: {  	[smem:$0x3FB7] =	sst s9;
	s0 =	simm.s32 @!p0 $0x0  }
0x12: {  	s1 =	sld [smem:$0x3F9D];
	s0 =	simm.s32 @p0 $0x1  }
0x13: {  	[smem:$0x3FB8] =	sst s0;
	s0 =	simm.s32 @!p1 $0x0  }
0x14: {  	s2 =	sld [smem:$0x3F9C];
	s0 =	simm.s32 @p1 $0x1  }
0x15: {  	[smem:$0x3FB9] =	sst s0;
	s0 =	simm.s32 @!p2 $0x0  }
0x16: {  	s3 =	sld [smem:$0x3FDB];
	s0 =	simm.s32 @p2 $0x1  }
0x17: {  	s4 =	simm.s32 $0x1BF5;
	[smem:$0x3FBB] =	sst s0  }
0x18: {  	s0 =	sld [smem:$0x3F9E];
	_ =	swait.ge [sflag:s4], $0x0  }
0x19: {  	s7 =	sld [smem:$0x3F9F]  }
0x1a: {  	s8 =	sadd.s32 $0xFFFFE003, lr  }
0x1b: {  	s9 =	sadd.s32 $0xFFFFFEF7, lr;
	s5 =	simm.s32 $0xFFFFFFFF;
	p2 =	slt.u32 s8, $0xFFFFF086  }
0x1c: {  	p1 =	slt.u32 s9, $0xF7A;
	s5 =	simm.s32 @!p2 $0x0  }
0x1d: {  	s5 =	simm.s32 @p1 $0x1;
	p0 =	seq.s32 s7, s2  }
0x1e: {  	s7 =	smul.u32 @!p0 $0xF7A, s2;
	p2 =	seq.s32 @!p0 s5, $0x0  }
0x1f: {  	s9 =	smul.u32 $0xF7A, s1;
	s8 =	simm.s32 @!p0 $0x1BF5;
	p2 =	por !p2, p0  }
0x20: {  	[sflag:s8] =	ssyncset.s32 @!p0 $0xFFFFF086;
	s6 =	sadd.s32 @!p0 s3, s7;
	s7 =	simm.s32 @!p0 $0x108  }
0x21: {  	s3 =	sadd.s32 s3, s9;
	s6 =	sadd.s32 @!p0 $0x88, s6;
	s7 =	simm.s32 @p2 $0x1082  }
0x22: {  	[simem:s7], [sflag:s8] =	dma.local @!p0 [hbm:s6], $0xF7A  }
0x23: {  	s9 =	sor.u32 $0xD0000000, s2;
	s6 =	simm.s32 $0x108;
	_ =	swait.ge @!p0 [sflag:s8], $0x0  }
0x24: {  	s3 =	sadd.s32 $0x88, s3;
	s6 =	simm.s32 @!p1 $0x1082;
	[sflag:s4] =	ssyncset.s32 $0xFFFFF086  }
0x25: {  	[simem:s6], [sflag:s4] =	dma.local [hbm:s3], $0xF7A  }
0x26: {  	[smem:$0x3F9F] =	sst s1;
	(tag) =	ssettag s2;
	_ =	strace s9  }
0x27: {  	s1 =	sld [smem:$0x3FAF]  }
0x28: {  	s2 =	sld [smem:$0x3FB0]  }
0x29: {  	s4 =	sld [smem:$0x3FB2]  }
0x2a: {  	p0 =	seq.s32 s5, $0x0;
	s5 =	sld [smem:$0x3FB3]  }
0x2b: {  	s6 =	sld [smem:$0x3FB4]  }
0x2c: {  	s7 =	sld [smem:$0x3FB5]  }
0x2d: {  	s3 =	simm.s32 $0x108;
	s8 =	sld [smem:$0x3FB6]  }
0x2e: {  	s3 =	simm.s32 @!p0 $0x1082;
	s9 =	sld [smem:$0x3FB7]  }
0x2f: {  	lr =	sadd.s32 s0, s3;
	s0 =	sld [smem:$0x3FAE]  }
0x30: {  	s3 =	sld [smem:$0x3FB1]  }
0x31: {  	[smem:$0x3FBA] =	sst s10  }
0x32: {  	s10 =	sld [smem:$0x3FB8];
	_ =	sdelay $0x3  }
0x33: {  	p0 =	seq.s32 s10, $0x1;
	s10 =	sld [smem:$0x3FBA];
	_ =	sdelay $0x3  }
0x34: {  	[smem:$0x3FBA] =	sst s10  }
0x35: {  	s10 =	sld [smem:$0x3FB9];
	_ =	sdelay $0x3  }
0x36: {  	p1 =	seq.s32 s10, $0x1;
	s10 =	sld [smem:$0x3FBA];
	_ =	sdelay $0x3  }
0x37: {  	[smem:$0x3FBA] =	sst s10  }
0x38: {  	s10 =	sld [smem:$0x3FBB]  }
0x39: {  	_ = 	snop;
	(pc) =	sbr.ind lr, $3  }
0x3a: {  	_ = 	snop  }
0x3b: {  	_ = 	snop  }
0x3c: {  	p2 =	seq.s32 s10, $0x1;
	s10 =	sld [smem:$0x3FBA]  }
0x3d: {  	_ =	shalt  }
0x3e: {  	_ =	shalt  }
0x3f: {  	_ =	shalt  }
0x40: {  	_ =	shalt  }
0x41: {  	_ =	shalt  }
0x42: {  	_ =	shalt  }
0x43: {  	_ =	shalt  }
0x44: {  	_ =	shalt  }
0x45: {  	_ =	shalt  }
0x46: {  	_ =	shalt  }
0x47: {  	_ =	shalt  }
0x48: {  	_ =	shalt  }
0x49: {  	_ =	shalt  }
0x4a: {  	_ =	shalt  }
0x4b: {  	_ =	shalt  }
0x4c: {  	_ =	shalt  }
0x4d: {  	_ =	shalt  }
0x4e: {  	_ =	shalt  }
0x4f: {  	_ =	shalt  }
0x50: {  	_ =	shalt  }
0x51: {  	_ =	shalt  }
0x52: {  	_ =	shalt  }
0x53: {  	_ =	shalt  }
0x54: {  	_ =	shalt  }
0x55: {  	_ =	shalt  }
0x56: {  	_ =	shalt  }
0x57: {  	_ =	shalt  }
0x58: {  	_ =	shalt  }
0x59: {  	_ =	shalt  }
0x5a: {  	_ =	shalt  }
0x5b: {  	_ =	shalt  }
0x5c: {  	_ =	shalt  }
0x5d: {  	_ =	shalt  }
0x5e: {  	_ =	shalt  }
0x5f: {  	_ =	shalt  }
0x60: {  	_ =	shalt  }
0x61: {  	_ =	shalt  }
0x62: {  	_ =	shalt  }
0x63: {  	_ =	shalt  }
0x64: {  	_ =	shalt  }
0x65: {  	_ =	shalt  }
0x66: {  	_ =	shalt  }
0x67: {  	_ =	shalt  }
0x68: {  	_ =	shalt  }
0x69: {  	_ =	shalt  }
0x6a: {  	_ =	shalt  }
0x6b: {  	_ =	shalt  }
0x6c: {  	_ =	shalt  }
0x6d: {  	_ =	shalt  }
0x6e: {  	_ =	shalt  }
0x6f: {  	_ =	shalt  }
0x70: {  	_ =	shalt  }
0x71: {  	_ =	shalt  }
0x72: {  	_ =	shalt  }
0x73: {  	_ =	shalt  }
0x74: {  	_ =	shalt  }
0x75: {  	_ =	shalt  }
0x76: {  	_ =	shalt  }
0x77: {  	_ =	shalt  }
0x78: {  	_ =	shalt  }
0x79: {  	_ =	shalt  }
0x7a: {  	_ =	shalt  }
0x7b: {  	_ =	shalt  }
0x7c: {  	_ =	shalt  }
0x7d: {  	_ =	shalt  }
0x7e: {  	_ =	shalt  }
0x7f: {  	_ =	shalt  }
0x80: {  	_ =	shalt  }
0x81: {  	_ =	shalt  }
0x82: {  	_ =	shalt  }
0x83: {  	_ =	shalt  }
0x84: {  	_ =	shalt  }
0x85: {  	_ =	shalt  }
0x86: {  	_ =	shalt  }
0x87: {  	_ =	shalt  }
.Lfunc_end0:
.L_simem_size_0:
called_computation_lowered:
.L_overlay_start_0:
0x88: {  	s2 =	sld [smem:$0x3FD9]  }
0x89: {  	s3 =	sld [smem:$0x3FFE];
	_ =	sdelay $0x1  }
0x8a: {  	s1 =	srdreg.scid  }
0x8b: {  	s0 =	sand.u32 $0x1, s1  }
0x8c: {  	s17 =	sshll.u32 s0, $0xA;
	s2 =	sadd.s32 s3, s2  }
0x8d: {  	s2 =	sadd.s32 s2, s17  }
0x8e: {  	[smem:$0x3FC6] =	sst s2  }
0x8f: {  	_ = 	snop  }
0x90: {  	s2 =	sld [smem:$0x3FC9]  }
0x91: {  	s18 =	sld [smem:$0x3FD0];
	(tm) =	ssettm $0x1  }
0x92: {  	s4 =	sld [smem:$0x3FFB];
	_ =	sdelay $0x3  }
0x93: {  	_ =	strace s4  }
0x94: {  	s4 =	sld [smem:$0x3FFC];
	_ =	sdelay $0x3  }
0x95: {  	_ =	strace s4  }
0x96: {  	s4 =	sld [smem:$0x3FFD];
	_ =	sdelay $0x3  }
0x97: {  	_ =	strace s4  }
0x98: {  	_ =	strace $0x8FFFFFFF  }
0x99: {  	s19 =	sld [smem:$0x3FDB];
	_ =	sdelay $0x1  }
0x9a: {  	s5 =	simm.s32 $_scs_section_size  }
0x9b: {  	s6 =	simm.s32 $_size__tile_overlayer_lowered;
	s7 =	simm.s32 $_tile_overlayer_lowered  }
0x9c: {  	s22 =	simm.s32 $0x1BFF;
	s21 =	sshll.u32 s7, $0x1;
	s4 =	sadd.s32 s5, s19  }
0x9d: {  	s8 =	simm.s32 $0x0;
	s20 =	sshll.u32 s6, $0x1;
	s6 =	sadd.s32 s21, s4  }
0x9e: {  	[timem:s8], [sflag:s22] =	dma.local [hbm:s6], s20  }
0x9f: {  	_ =	swait.ge [sflag:s22], s20  }
0xa0: {  	s5 =	ssub.s32 $0x0, s20;
	[sflag:s22] =	ssyncset.done $0x0  }
0xa1: {  	[sflag:s22] =	ssyncadd.s32 s5;
	_ =	sdelay $0x1  }
0xa2: {  	s23 =	simm.s32 $0x1B8B  }
0xa3: {  	_ =	swait.ge [sflag:s23], $0x1  }
0xa4: {  	[sflag:s23] =	ssyncset.done $0x0  }
0xa5: {  	s25 =	simm.s32 $0x1B8E;
	s24 =	sld [smem:$0x3FFE];
	[sflag:s23] =	ssyncadd.s32 $0xFFFFFFFF  }
0xa6: {  	s26 =	simm.s32 $execute0_lowered;
	[smem:$0x3FD2] =	sst s25  }
0xa7: {  	s6 =	sshll.u32 s26, $0x1;
	_ =	strace $0x80000046;
	[dreg:$0x1] =	wrdreg $0xFFFFFFFF  }
0xa8: {  	s28 =	simm.s32 $_size_execute0_lowered;
	s4 =	sadd.s32 s4, s6;
	[dreg:$0x0] =	wrdreg $0x0  }
0xa9: {  	s6 =	sshll.u32 s28, $0x1;
	[dreg:$0x2] =	wrdreg s4  }
0xaa: {  	[dreg:$0x3] =	wrdreg s6  }
0xab: {  	[dreg:$0x4] =	wrdreg $0xC0  }
0xac: {  	_ =	task [dreg:s8], $0x5FFFF  }
0xad: {  	[dreg:$0x1] =	wrdreg $0xFFFFFFFF  }
0xae: {  	[dreg:$0x0] =	wrdreg $0x60  }
0xaf: {  	[dreg:$0x2] =	wrdreg s2  }
0xb0: {  	[dreg:$0x3] =	wrdreg s24  }
0xb1: {  	[dreg:$0x4] =	wrdreg s18  }
0xb2: {  	[dreg:$0x5] =	wrdreg $0x9  }
0xb3: {  	_ =	task.clear_ibuf [dreg:s8], $0x6FFFF;
	_ =	strace $0x90000046  }
0xb4: {  	s29 =	simm.s32 $0x9;
	_ =	strace $0x80000048  }
0xb5: {  	_ =	swait.ge [sflag:s29], $0x1  }
0xb6: {  	[sflag:s29] =	ssyncadd.s32 $0xFFFFFFFF  }
0xb7: {  	_ =	strace $0x90000048  }
0xb8: {  	_ =	sfence  }
0xb9: {  	s30 =	sld [smem:$0x0];
	_ =	sdelay $0x2  }
0xba: {  	s31 =	sshll.u32 s1, $0xD;
	s1 =	sshrl.u32 s1, $0x2  }
0xbb: {  	s3 =	sand.u32 $0x4000, s31;
	s1 =	sadd.s32 s1, s30  }
0xbc: {  	s0 =	sor.u32 s3, s0;
	s1 =	sshll.u32 s1, $0x11  }
0xbd: {  	s0 =	sor.u32 s1, s0  }
0xbe: {  	s0 =	sadd.s32 $0x8F2B, s0  }
0xbf: {  	[sflag:s0] =	ssyncadd.remote.s32 $0x1  }
0xc0: {  	_ =	sfence.sel $0xFFFF  }
0xc1: {  	[dreg:$0x0] =	wrdreg $0xFFFFFFFF;
	(pc) =	sbr.abs _section_cstart, $3  }
0xc2: {  	[dreg:$0x1] =	wrdreg $0xFFFFFFFF  }
0xc3: {  	_ =	task.clear_ibuf [dreg:s8], $0x2FFFF;
	_ =	strace $0x9FFFFFFF  }
0xc4: {  	(tm) =	ssettm $0x7FFFFFFF  }
0xc5: {  	_ =	shalt  }
tec
execute0_lowered:
.L_overlay_start_1:
0x0: {  	(tag) =	ssettag $0x1  }
0x1: {  	v8 =	vlaneseq.u32  }
0x2: {  	s6 =	rddreg [dreg:$0x0];
	v10 =	vmul.u32 $0x80, v8  }
0x3: {  	s5 =	rddreg [dreg:$0x1]  }
0x4: {  	s1 =	rddreg [dreg:$0x2];
	s2 =	simm.s32 $0x0;
	v0 =	vor.u32 $0x1810, v10  }
0x5: {  	[smem:$0x7FF] =	sst s2;
	[tilespmem:$0x1FD30] =	vst v0;
	v0 =	vor.u32 $0x1840, v8  }
0x6: {  	s0 =	rddreg [dreg:$0x3];
	v14 =	vor.u32 $0x10, v8;
	_ =	strace $0x80000047;
	[tilespmem:$0x1FD40] =	vst v0  }
0x7: {  	v58 =	vor.u32 $0x20, v8;
	[tilespmem:$0x1FD80] =	vst v14  }
0x8: {  	v34 =	vor.u32 $0x30, v8;
	[tilespmem:$0x1FD90] =	vst v58  }
0x9: {  	v9 =	vor.u32 $0x40, v8;
	[tilespmem:$0x1FDA0] =	vst v34  }
0xa: {  	v21 =	vor.u32 $0x50, v8;
	[tilespmem:$0x1FDB0] =	vst v9  }
0xb: {  	v39 =	vor.u32 $0x60, v8;
	[tilespmem:$0x1FDC0] =	vst v21  }
0xc: {  	v31 =	vor.u32 $0x70, v8;
	[tilespmem:$0x1FDD0] =	vst v39  }
0xd: {  	v60 =	vor.u32 $0x800, v8;
	[tilespmem:$0x1FDE0] =	vst v31  }
0xe: {  	v11 =	vor.u32 $0x810, v8;
	[tilespmem:$0x1FDF0] =	vst v60  }
0xf: {  	v23 =	vor.u32 $0x820, v8;
	[tilespmem:$0x1FE00] =	vst v11  }
0x10: {  	v27 =	vor.u32 $0x830, v8;
	[tilespmem:$0x1FE10] =	vst v23  }
0x11: {  	v29 =	vor.u32 $0x840, v8;
	[tilespmem:$0x1FE20] =	vst v27  }
0x12: {  	v48 =	vor.u32 $0x850, v8;
	[tilespmem:$0x1FE30] =	vst v29  }
0x13: {  	v59 =	vor.u32 $0x860, v8;
	[tilespmem:$0x1FE40] =	vst v48  }
0x14: {  	v57 =	vor.u32 $0x870, v8;
	[tilespmem:$0x1FE50] =	vst v59  }
0x15: {  	v6 =	vor.u32 $0x1000, v8;
	[tilespmem:$0x1FE60] =	vst v57  }
0x16: {  	v61 =	vor.u32 $0x1010, v8;
	[tilespmem:$0x1FE70] =	vst v6  }
0x17: {  	v30 =	vor.u32 $0x1020, v8;
	[tilespmem:$0x1FE80] =	vst v61  }
0x18: {  	v7 =	vor.u32 $0x1030, v8;
	[tilespmem:$0x1FE90] =	vst v30  }
0x19: {  	v54 =	vor.u32 $0x1040, v8;
	[tilespmem:$0x1FEA0] =	vst v7  }
0x1a: {  	v55 =	vor.u32 $0x1050, v8;
	[tilespmem:$0x1FEB0] =	vst v54  }
0x1b: {  	v56 =	vor.u32 $0x1060, v8;
	[tilespmem:$0x1FEC0] =	vst v55  }
0x1c: {  	v53 =	vor.u32 $0x1070, v8;
	[tilespmem:$0x1FED0] =	vst v56  }
0x1d: {  	v47 =	vor.u32 $0x1800, v8;
	[tilespmem:$0x1FEE0] =	vst v53  }
0x1e: {  	v52 =	vor.u32 $0x1810, v8;
	[tilespmem:$0x1FEF0] =	vst v47  }
0x1f: {  	v12 =	vor.u32 $0x1820, v8;
	[tilespmem:$0x1FF00] =	vst v52  }
0x20: {  	v17 =	vor.u32 $0x1830, v8;
	[tilespmem:$0x1FF10] =	vst v12  }
0x21: {  	v19 =	vor.u32 $0x1800, v10;
	[tilespmem:$0x1FF20] =	vst v17  }
0x22: {  	v35 =	vor.u32 $0x2000, v10;
	[tilespmem:$0x1FF30] =	vst v19  }
0x23: {  	v4 =	vor.u32 $0x2800, v10;
	[tilespmem:$0x1FF40] =	vst v35  }
0x24: {  	v1 =	vor.u32 $0x3010, v10;
	[tilespmem:$0x1FF50] =	vst v4  }
0x25: {  	v43 =	vor.u32 $0x800, v10;
	[tilespmem:$0x1FF60] =	vst v1  }
0x26: {  	v16 =	vor.u32 $0x1830, v10;
	[tilespmem:$0x1FF70] =	vst v43  }
0x27: {  	v26 =	vor.u32 $0x1000, v10;
	[tilespmem:$0x1FF80] =	vst v16  }
0x28: {  	v3 =	vor.u32 $0x3000, v10;
	[tilespmem:$0x1FF90] =	vst v26  }
0x29: {  	v46 =	vor.u32 $0x3800, v10;
	[tilespmem:$0x1FFA0] =	vst v3  }
0x2a: {  	s3 =	srdreg.scid;
	s10 =	simm.s32 $0x3;
	s12 =	simm.s32 $0x3000;
	v63 =	vor.u32 $0x10, v10;
	v25 =	vor.u32 $0x810, v10;
	v32 =	vor.u32 $0x1010, v10;
	[tilespmem:$0x1FFB0] =	vst v46  }
0x2b: {  	s11 =	simm.s32 $0x80;
	s13 =	simm.s32 $0x400;
	s14 =	simm.s32 $0x7000;
	v5 =	vor.u32 $0x2010, v10;
	v37 =	vor.u32 $0x2810, v10;
	v2 =	vor.u32 $0x3810, v10;
	[tilespmem:$0x1FFC0] =	vst v63  }
0x2c: {  	s15 =	simm.s32 $0x1;
	s16 =	simm.s32 $0xB000;
	s17 =	simm.s32 $0xD000;
	v13 =	vor.u32 $0x20, v10;
	v41 =	vor.u32 $0x820, v10;
	v50 =	vor.u32 $0x1020, v10;
	[tilespmem:$0x1FFD0] =	vst v25  }
0x2d: {  	s18 =	simm.s32 $0x2;
	s19 =	simm.s32 $0x0;
	s4 =	sand.u32 $0x1, s3;
	v45 =	vor.u32 $0x1820, v10;
	v18 =	vor.u32 $0x2020, v10;
	v20 =	vor.u32 $0x2820, v10;
	[tilespmem:$0x1FFE0] =	vst v5  }
0x2e: {  	s3 =	stileid.u32;
	s5 =	sadd.s32 $0xF42800, s5;
	s7 =	ssub.s32 $0x2, s4;
	v44 =	vor.u32 $0x3020, v10;
	v33 =	vor.u32 $0x3820, v10;
	v0 =	vor.u32 $0x1850, v8;
	[tilespmem:$0x1FFF0] =	vst v37  }
0x2f: {  	s9 =	sshll.u32 s3, $0xA;
	s4 =	sshll.u32 s4, $0x9;
	s8 =	sshrl.u32 s7, $0x1;
	v49 =	vor.u32 $0x30, v10;
	v62 =	vor.u32 $0x830, v10;
	[tilespmem:$0x1FD50] =	vst v0;
	v0 =	vor.u32 $0x1860, v8  }
0x30: {  	s4 =	sor.u32 s4, s9;
	s9 =	simm.s32 $0x20000;
	v38 =	vor.u32 $0x1030, v10;
	v51 =	vor.u32 $0x2030, v10;
	s7 =	ssub.s32 s7, s8;
	[tilespmem:$0x1FD60] =	vst v0;
	v0 =	vor.u32 $0x1870, v8  }
0x31: {  	v15 =	vor.u32 $0x2830, v10;
	v22 =	vor.u32 $0x3030, v10;
	v24 =	vor.u32 $0x3830, v10;
	s6 =	sadd.s32 s6, s4;
	s8 =	simm.s32 $0x1000;
	s7 =	smax.u32 s7, $0x1;
	[tilespmem:$0x1FD70] =	vst v0  }
.LBB2_1:
0x32: {  	[tilespmem:s2], [sflag:$0x3] =	stream.strided.gather [hbm4b:s6+s8], $0x3000, s9, s8, $0x38;
	[tilespmem:$0xF000] =	vst v63  }
0x33: {  	_ =	swait.ge [sflag:s10], $0x3000  }
0x34: {  	[sflag:s10] =	ssyncset.done $0x0  }
0x35: {  	[sflag:s10] =	ssyncadd.s32 $0xFFFFD000  }
0x36: {  	[tilespmem:s12], [sflag:$0x1] =	stream.indirect.gather [hbm4b:s5+s11], $0x80, s2, s11, $0xb8;
	[tilespmem:$0xF000] =	vst v63  }
0x37: {  	s20 =	simm.s32 $0x0  }
0x38: {  	[tilespmem:s14], [sflag:$0x1] =	stream.indirect.gather [hbm4b:s5+s11], $0x80, s13, s11, $0xb8;
	[tilespmem:$0xF000] =	vst v63  }
.LBB2_2:
0x39: {  	s21 =	simm.s32 $0x0  }
0x3a: {  	v0 =	vadd.s32 s21, v8  }
0x3b: {  	_ =	swait.ge [sflag:s15], $0x4000;
	v36 =	vmov v7;
	v7 =	vmov v2;
	v2 =	vand.u32 $0xF, v0  }
0x3c: {  	p1 =	seq.s32 s20, $0x0;
	v40 =	vmov v3;
	[sflag:s15] =	ssyncset.done $0x0;
	v3 =	vor.u32 v10, v2  }
0x3d: {  	s21 =	simm.s32 @!p1 $0x2;
	[sflag:s15] =	ssyncadd.s32 $0xFFFFC000  }
0x3e: {  	_ =	swait.ge @!p1 [sflag:s21], $0x2000  }
0x3f: {  	v54 =	vmov v48;
	v48 =	vmov v1;
	v1 =	vshll.u32 v0, $0x7;
	[sflag:s21] =	ssyncset.done @!p1 $0x0  }
0x40: {  	v1 =	vand.u32 $0x780, v1;
	[sflag:s21] =	ssyncadd.s32 @!p1 $0xFFFFE000  }
0x41: {  	v28 =	vmov v4;
	v4 =	vor.u32 v8, v1;
	v3 =	vld.idx.msk [tilespmem:v3+s12+$0x0], $0xffff  }
0x42: {  	v42 =	vmovc v37;
	v37 =	vmov v31;
	v31 =	vmov v5;
	v5 =	vor.u32 v43, v2;
	_ =	sdelay $0x3  }
0x43: {  	[tilespmem:v4+s16+$0x0] =	vst.idx.msk $0xffff, v3  }
0x44: {  	v4 =	vor.u32 v14, v1;
	v3 =	vld.idx.msk [tilespmem:v5+s12+$0x0], $0xffff  }
0x45: {  	v5 =	vor.u32 v26, v2;
	_ =	sdelay $0x3  }
0x46: {  	[tilespmem:v4+s16+$0x0] =	vst.idx.msk $0xffff, v3  }
0x47: {  	v4 =	vor.u32 v58, v1;
	v3 =	vld.idx.msk [tilespmem:v5+s12+$0x0], $0xffff  }
0x48: {  	v5 =	vor.u32 v19, v2;
	_ =	sdelay $0x3  }
0x49: {  	[tilespmem:v4+s16+$0x0] =	vst.idx.msk $0xffff, v3  }
0x4a: {  	v4 =	vor.u32 v34, v1;
	v3 =	vld.idx.msk [tilespmem:v5+s12+$0x0], $0xffff  }
0x4b: {  	v5 =	vor.u32 v35, v2;
	_ =	sdelay $0x3  }
0x4c: {  	[tilespmem:v4+s16+$0x0] =	vst.idx.msk $0xffff, v3  }
0x4d: {  	v4 =	vor.u32 v9, v1;
	v3 =	vld.idx.msk [tilespmem:v5+s12+$0x0], $0xffff  }
0x4e: {  	v5 =	vor.u32 v28, v2;
	_ =	sdelay $0x3  }
0x4f: {  	[tilespmem:v4+s16+$0x0] =	vst.idx.msk $0xffff, v3  }
0x50: {  	v4 =	vor.u32 v21, v1;
	v3 =	vld.idx.msk [tilespmem:v5+s12+$0x0], $0xffff  }
0x51: {  	v5 =	vor.u32 v40, v2;
	_ =	sdelay $0x3  }
0x52: {  	[tilespmem:v4+s16+$0x0] =	vst.idx.msk $0xffff, v3  }
0x53: {  	v4 =	vor.u32 v39, v1;
	v3 =	vld.idx.msk [tilespmem:v5+s12+$0x0], $0xffff  }
0x54: {  	v5 =	vor.u32 v46, v2;
	_ =	sdelay $0x3  }
0x55: {  	[tilespmem:v4+s16+$0x0] =	vst.idx.msk $0xffff, v3  }
0x56: {  	v4 =	vor.u32 v37, v1;
	v3 =	vld.idx.msk [tilespmem:v5+s12+$0x0], $0xffff  }
0x57: {  	v5 =	vor.u32 v63, v0;
	_ =	sdelay $0x3  }
0x58: {  	[tilespmem:v4+s16+$0x0] =	vst.idx.msk $0xffff, v3  }
0x59: {  	v4 =	vor.u32 v60, v1;
	v3 =	vld.idx.msk [tilespmem:v5+s12+$0x0], $0xffff  }
0x5a: {  	v5 =	vor.u32 v25, v0;
	_ =	sdelay $0x3  }
0x5b: {  	[tilespmem:v4+s16+$0x0] =	vst.idx.msk $0xffff, v3  }
0x5c: {  	v4 =	vor.u32 v11, v1;
	v3 =	vld.idx.msk [tilespmem:v5+s12+$0x0], $0xffff  }
0x5d: {  	v5 =	vor.u32 v32, v0  }
0x5e: {  	v43 =	vld [tilespmem:$0x1FD30];
	_ =	sdelay $0x2  }
0x5f: {  	[tilespmem:v4+s16+$0x0] =	vst.idx.msk $0xffff, v3  }
0x60: {  	v4 =	vor.u32 v23, v1;
	v3 =	vld.idx.msk [tilespmem:v5+s12+$0x0], $0xffff  }
0x61: {  	v5 =	vor.u32 v43, v0;
	_ =	sdelay $0x3  }
0x62: {  	[tilespmem:v4+s16+$0x0] =	vst.idx.msk $0xffff, v3  }
0x63: {  	v4 =	vor.u32 v27, v1;
	v3 =	vld.idx.msk [tilespmem:v5+s12+$0x0], $0xffff  }
0x64: {  	v5 =	vor.u32 v31, v0;
	_ =	sdelay $0x3  }
0x65: {  	[tilespmem:v4+s16+$0x0] =	vst.idx.msk $0xffff, v3  }
0x66: {  	v4 =	vor.u32 v29, v1;
	v3 =	vld.idx.msk [tilespmem:v5+s12+$0x0], $0xffff  }
0x67: {  	v5 =	vor.u32 v42, v0;
	_ =	sdelay $0x3  }
0x68: {  	[tilespmem:v4+s16+$0x0] =	vst.idx.msk $0xffff, v3  }
0x69: {  	v4 =	vor.u32 v54, v1;
	v3 =	vld.idx.msk [tilespmem:v5+s12+$0x0], $0xffff  }
0x6a: {  	v5 =	vor.u32 v48, v0;
	_ =	sdelay $0x3  }
0x6b: {  	[tilespmem:v4+s16+$0x0] =	vst.idx.msk $0xffff, v3  }
0x6c: {  	v4 =	vor.u32 v59, v1;
	v3 =	vld.idx.msk [tilespmem:v5+s12+$0x0], $0xffff  }
0x6d: {  	v5 =	vor.u32 v7, v0;
	_ =	sdelay $0x3  }
0x6e: {  	[tilespmem:v4+s16+$0x0] =	vst.idx.msk $0xffff, v3  }
0x6f: {  	v4 =	vor.u32 v57, v1;
	v3 =	vld.idx.msk [tilespmem:v5+s12+$0x0], $0xffff  }
0x70: {  	v5 =	vor.u32 v13, v2;
	_ =	sdelay $0x3  }
0x71: {  	[tilespmem:v4+s16+$0x0] =	vst.idx.msk $0xffff, v3  }
0x72: {  	v4 =	vor.u32 v6, v1;
	v3 =	vld.idx.msk [tilespmem:v5+s12+$0x0], $0xffff  }
0x73: {  	v5 =	vor.u32 v41, v2;
	_ =	sdelay $0x3  }
0x74: {  	[tilespmem:v4+s16+$0x0] =	vst.idx.msk $0xffff, v3  }
0x75: {  	v4 =	vor.u32 v61, v1;
	v3 =	vld.idx.msk [tilespmem:v5+s12+$0x0], $0xffff  }
0x76: {  	v5 =	vor.u32 v50, v2;
	_ =	sdelay $0x3  }
0x77: {  	[tilespmem:v4+s16+$0x0] =	vst.idx.msk $0xffff, v3  }
0x78: {  	v4 =	vor.u32 v30, v1;
	v3 =	vld.idx.msk [tilespmem:v5+s12+$0x0], $0xffff  }
0x79: {  	v5 =	vor.u32 v45, v2;
	_ =	sdelay $0x3  }
0x7a: {  	[tilespmem:v4+s16+$0x0] =	vst.idx.msk $0xffff, v3  }
0x7b: {  	v4 =	vor.u32 v36, v1;
	v3 =	vld.idx.msk [tilespmem:v5+s12+$0x0], $0xffff  }
0x7c: {  	v28 =	vmov v63;
	v63 =	vld [tilespmem:$0x1FEB0];
	v5 =	vor.u32 v18, v2;
	_ =	sdelay $0x3  }
0x7d: {  	[tilespmem:v4+s16+$0x0] =	vst.idx.msk $0xffff, v3  }
0x7e: {  	v4 =	vor.u32 v63, v1;
	v3 =	vld.idx.msk [tilespmem:v5+s12+$0x0], $0xffff  }
0x7f: {  	v5 =	vor.u32 v20, v2;
	_ =	sdelay $0x3  }
0x80: {  	[tilespmem:v4+s16+$0x0] =	vst.idx.msk $0xffff, v3  }
0x81: {  	v4 =	vor.u32 v55, v1;
	v3 =	vld.idx.msk [tilespmem:v5+s12+$0x0], $0xffff  }
0x82: {  	v5 =	vor.u32 v44, v2;
	_ =	sdelay $0x3  }
0x83: {  	[tilespmem:v4+s16+$0x0] =	vst.idx.msk $0xffff, v3  }
0x84: {  	v4 =	vor.u32 v56, v1;
	v3 =	vld.idx.msk [tilespmem:v5+s12+$0x0], $0xffff  }
0x85: {  	v2 =	vor.u32 v33, v2;
	_ =	sdelay $0x3  }
0x86: {  	[tilespmem:v4+s16+$0x0] =	vst.idx.msk $0xffff, v3  }
0x87: {  	v3 =	vor.u32 v53, v1;
	v2 =	vld.idx.msk [tilespmem:v2+s12+$0x0], $0xffff  }
0x88: {  	v4 =	vor.u32 v49, v0;
	_ =	sdelay $0x3  }
0x89: {  	[tilespmem:v3+s16+$0x0] =	vst.idx.msk $0xffff, v2  }
0x8a: {  	v3 =	vor.u32 v47, v1;
	v2 =	vld.idx.msk [tilespmem:v4+s12+$0x0], $0xffff  }
0x8b: {  	v4 =	vor.u32 v62, v0;
	_ =	sdelay $0x3  }
0x8c: {  	[tilespmem:v3+s16+$0x0] =	vst.idx.msk $0xffff, v2  }
0x8d: {  	v3 =	vor.u32 v52, v1;
	v2 =	vld.idx.msk [tilespmem:v4+s12+$0x0], $0xffff  }
0x8e: {  	v4 =	vor.u32 v38, v0;
	_ =	sdelay $0x3  }
0x8f: {  	[tilespmem:v3+s16+$0x0] =	vst.idx.msk $0xffff, v2  }
0x90: {  	v3 =	vor.u32 v12, v1;
	v2 =	vld.idx.msk [tilespmem:v4+s12+$0x0], $0xffff  }
0x91: {  	v4 =	vor.u32 v16, v0;
	_ =	sdelay $0x3  }
0x92: {  	[tilespmem:v3+s16+$0x0] =	vst.idx.msk $0xffff, v2  }
0x93: {  	v3 =	vor.u32 v17, v1;
	v2 =	vld.idx.msk [tilespmem:v4+s12+$0x0], $0xffff;
	_ =	sdelay $0x4  }
0x94: {  	v4 =	vor.u32 v51, v0;
	[tilespmem:v3+s16+$0x0] =	vst.idx.msk $0xffff, v2;
	v3 =	vld [tilespmem:$0x1FD40];
	_ =	sdelay $0x4  }
0x95: {  	v2 =	vld.idx.msk [tilespmem:v4+s12+$0x0], $0xffff;
	v3 =	vor.u32 v3, v1;
	_ =	sdelay $0x4  }
0x96: {  	v4 =	vor.u32 v15, v0;
	[tilespmem:v3+s16+$0x0] =	vst.idx.msk $0xffff, v2;
	v3 =	vld [tilespmem:$0x1FD50];
	_ =	sdelay $0x4  }
0x97: {  	v2 =	vld.idx.msk [tilespmem:v4+s12+$0x0], $0xffff;
	v3 =	vor.u32 v3, v1;
	_ =	sdelay $0x4  }
0x98: {  	v4 =	vor.u32 v22, v0;
	[tilespmem:v3+s16+$0x0] =	vst.idx.msk $0xffff, v2;
	v3 =	vld [tilespmem:$0x1FD60];
	_ =	sdelay $0x1  }
0x99: {  	v31 =	vmov v19;
	v19 =	vmov v28;
	v28 =	vmov v43;
	v43 =	vld [tilespmem:$0x1FFF0]  }
0x9a: {  	v42 =	vmov v37;
	v37 =	vld [tilespmem:$0x1FF50]  }
0x9b: {  	v60 =	vmov v26;
	v26 =	vmov v50;
	v48 =	vld [tilespmem:$0x1FFB0]  }
0x9c: {  	v25 =	vmovc v27;
	v50 =	vmovc v53;
	v53 =	vmov v32;
	v2 =	vld.idx.msk [tilespmem:v4+s12+$0x0], $0xffff;
	v32 =	vmov v3;
	v3 =	vor.u32 v3, v1  }
0x9d: {  	v46 =	vmovc v11;
	v11 =	vmov v54;
	v27 =	vmov v7;
	v7 =	vld [tilespmem:$0x1FFD0];
	v4 =	vor.u32 v24, v0  }
0x9e: {  	v40 =	vmov v30;
	v17 =	vmov v45;
	v45 =	vmov v39;
	v39 =	vld [tilespmem:$0x1FD70]  }
0x9f: {  	v30 =	vmovc v41;
	v41 =	vmovc v34;
	v34 =	vmov v25;
	v25 =	vmov v23;
	v23 =	vmov v46;
	v46 =	vld [tilespmem:$0x1FFA0]  }
0xa0: {  	v54 =	vmov v56;
	v56 =	vmov v11;
	v11 =	vmov v21;
	v21 =	vld [tilespmem:$0x1FDF0]  }
0xa1: {  	s22 =	simm.s32 $0x1;
	v16 =	vmov v15;
	v15 =	vmov v27;
	v27 =	vld [tilespmem:$0x1FFE0];
	[tilespmem:v3+s16+$0x0] =	vst.idx.msk $0xffff, v2  }
0xa2: {  	s21 =	sshll.u32 s20, $0x1;
	v0 =	vadd.s32 s22, v8;
	s22 =	simm.s32 $0x2;
	v3 =	vld.idx.msk [tilespmem:v4+s12+$0x0], $0xffff  }
.LBB2_3:
0xa3: {  	v1 =	vor.u32 v39, v1;
	_ =	sdelay $0x2  }
0xa4: {  	v2 =	vand.u32 $0xF, v0  }
0xa5: {  	v5 =	vshll.u32 v0, $0x7;
	v4 =	vor.u32 v10, v2  }
0xa6: {  	[tilespmem:v1+s16+$0x0] =	vst.idx.msk $0xffff, v3;
	v1 =	vand.u32 $0x780, v5;
	v5 =	vld [tilespmem:$0x1FF70];
	_ =	sdelay $0x3  }
0xa7: {  	v3 =	vld.idx.msk [tilespmem:v4+s12+$0x0], $0xffff;
	v4 =	vor.u32 v8, v1  }
0xa8: {  	v5 =	vor.u32 v5, v2;
	_ =	sdelay $0x3  }
0xa9: {  	[tilespmem:v4+s16+$0x0] =	vst.idx.msk $0xffff, v3  }
0xaa: {  	v4 =	vor.u32 v14, v1;
	v3 =	vld.idx.msk [tilespmem:v5+s12+$0x0], $0xffff  }
0xab: {  	v5 =	vor.u32 v60, v2;
	_ =	sdelay $0x3  }
0xac: {  	[tilespmem:v4+s16+$0x0] =	vst.idx.msk $0xffff, v3  }
0xad: {  	v4 =	vor.u32 v58, v1;
	v3 =	vld.idx.msk [tilespmem:v5+s12+$0x0], $0xffff  }
0xae: {  	v5 =	vor.u32 v31, v2;
	_ =	sdelay $0x3  }
0xaf: {  	[tilespmem:v4+s16+$0x0] =	vst.idx.msk $0xffff, v3  }
0xb0: {  	v4 =	vor.u32 v41, v1;
	v3 =	vld.idx.msk [tilespmem:v5+s12+$0x0], $0xffff  }
0xb1: {  	v5 =	vor.u32 v35, v2;
	_ =	sdelay $0x3  }
0xb2: {  	[tilespmem:v4+s16+$0x0] =	vst.idx.msk $0xffff, v3  }
0xb3: {  	v4 =	vor.u32 v9, v1;
	v3 =	vld.idx.msk [tilespmem:v5+s12+$0x0], $0xffff  }
0xb4: {  	v5 =	vor.u32 v37, v2;
	_ =	sdelay $0x3  }
0xb5: {  	[tilespmem:v4+s16+$0x0] =	vst.idx.msk $0xffff, v3  }
0xb6: {  	v4 =	vor.u32 v11, v1;
	v3 =	vld.idx.msk [tilespmem:v5+s12+$0x0], $0xffff  }
0xb7: {  	v5 =	vor.u32 v46, v2;
	_ =	sdelay $0x3  }
0xb8: {  	[tilespmem:v4+s16+$0x0] =	vst.idx.msk $0xffff, v3  }
0xb9: {  	v4 =	vor.u32 v45, v1;
	v3 =	vld.idx.msk [tilespmem:v5+s12+$0x0], $0xffff  }
0xba: {  	v5 =	vor.u32 v48, v2;
	_ =	sdelay $0x3  }
0xbb: {  	[tilespmem:v4+s16+$0x0] =	vst.idx.msk $0xffff, v3  }
0xbc: {  	v4 =	vor.u32 v42, v1;
	v3 =	vld.idx.msk [tilespmem:v5+s12+$0x0], $0xffff  }
0xbd: {  	v5 =	vor.u32 v19, v0;
	_ =	sdelay $0x3  }
0xbe: {  	[tilespmem:v4+s16+$0x0] =	vst.idx.msk $0xffff, v3  }
0xbf: {  	v4 =	vor.u32 v21, v1;
	v3 =	vld.idx.msk [tilespmem:v5+s12+$0x0], $0xffff  }
0xc0: {  	v5 =	vor.u32 v7, v0;
	_ =	sdelay $0x3  }
0xc1: {  	[tilespmem:v4+s16+$0x0] =	vst.idx.msk $0xffff, v3  }
0xc2: {  	v4 =	vor.u32 v23, v1;
	v3 =	vld.idx.msk [tilespmem:v5+s12+$0x0], $0xffff  }
0xc3: {  	v5 =	vor.u32 v53, v0;
	_ =	sdelay $0x3  }
0xc4: {  	[tilespmem:v4+s16+$0x0] =	vst.idx.msk $0xffff, v3  }
0xc5: {  	v4 =	vor.u32 v25, v1;
	v3 =	vld.idx.msk [tilespmem:v5+s12+$0x0], $0xffff  }
0xc6: {  	v5 =	vor.u32 v28, v0;
	_ =	sdelay $0x3  }
0xc7: {  	[tilespmem:v4+s16+$0x0] =	vst.idx.msk $0xffff, v3  }
0xc8: {  	v4 =	vor.u32 v34, v1;
	v3 =	vld.idx.msk [tilespmem:v5+s12+$0x0], $0xffff  }
0xc9: {  	v5 =	vor.u32 v27, v0;
	_ =	sdelay $0x3  }
0xca: {  	[tilespmem:v4+s16+$0x0] =	vst.idx.msk $0xffff, v3  }
0xcb: {  	v4 =	vor.u32 v29, v1;
	v3 =	vld.idx.msk [tilespmem:v5+s12+$0x0], $0xffff  }
0xcc: {  	v5 =	vor.u32 v43, v0;
	_ =	sdelay $0x3  }
0xcd: {  	[tilespmem:v4+s16+$0x0] =	vst.idx.msk $0xffff, v3  }
0xce: {  	v3 =	vld.idx.msk [tilespmem:v5+s12+$0x0], $0xffff  }
0xcf: {  	v5 =	vld [tilespmem:$0x1FF60];
	_ =	sdelay $0x3  }
0xd0: {  	v4 =	vor.u32 v56, v1  }
0xd1: {  	v5 =	vor.u32 v5, v0;
	_ =	sdelay $0x3  }
0xd2: {  	[tilespmem:v4+s16+$0x0] =	vst.idx.msk $0xffff, v3  }
0xd3: {  	v4 =	vor.u32 v59, v1;
	v3 =	vld.idx.msk [tilespmem:v5+s12+$0x0], $0xffff  }
0xd4: {  	v5 =	vor.u32 v15, v0;
	_ =	sdelay $0x3  }
0xd5: {  	[tilespmem:v4+s16+$0x0] =	vst.idx.msk $0xffff, v3  }
0xd6: {  	v4 =	vor.u32 v57, v1;
	v3 =	vld.idx.msk [tilespmem:v5+s12+$0x0], $0xffff  }
0xd7: {  	v5 =	vor.u32 v13, v2;
	_ =	sdelay $0x3  }
0xd8: {  	[tilespmem:v4+s16+$0x0] =	vst.idx.msk $0xffff, v3  }
0xd9: {  	v4 =	vor.u32 v6, v1;
	v3 =	vld.idx.msk [tilespmem:v5+s12+$0x0], $0xffff  }
0xda: {  	v5 =	vor.u32 v30, v2;
	_ =	sdelay $0x3  }
0xdb: {  	[tilespmem:v4+s16+$0x0] =	vst.idx.msk $0xffff, v3  }
0xdc: {  	v4 =	vor.u32 v61, v1;
	v3 =	vld.idx.msk [tilespmem:v5+s12+$0x0], $0xffff  }
0xdd: {  	v5 =	vor.u32 v26, v2;
	_ =	sdelay $0x3  }
0xde: {  	[tilespmem:v4+s16+$0x0] =	vst.idx.msk $0xffff, v3  }
0xdf: {  	v4 =	vor.u32 v40, v1;
	v3 =	vld.idx.msk [tilespmem:v5+s12+$0x0], $0xffff  }
0xe0: {  	v5 =	vor.u32 v17, v2;
	_ =	sdelay $0x3  }
0xe1: {  	[tilespmem:v4+s16+$0x0] =	vst.idx.msk $0xffff, v3  }
0xe2: {  	v4 =	vor.u32 v36, v1;
	v3 =	vld.idx.msk [tilespmem:v5+s12+$0x0], $0xffff  }
0xe3: {  	v5 =	vor.u32 v18, v2;
	_ =	sdelay $0x3  }
0xe4: {  	[tilespmem:v4+s16+$0x0] =	vst.idx.msk $0xffff, v3  }
0xe5: {  	v4 =	vor.u32 v63, v1;
	v3 =	vld.idx.msk [tilespmem:v5+s12+$0x0], $0xffff  }
0xe6: {  	v5 =	vor.u32 v20, v2;
	_ =	sdelay $0x3  }
0xe7: {  	[tilespmem:v4+s16+$0x0] =	vst.idx.msk $0xffff, v3  }
0xe8: {  	v4 =	vor.u32 v55, v1;
	v3 =	vld.idx.msk [tilespmem:v5+s12+$0x0], $0xffff  }
0xe9: {  	v5 =	vor.u32 v44, v2;
	_ =	sdelay $0x3  }
0xea: {  	[tilespmem:v4+s16+$0x0] =	vst.idx.msk $0xffff, v3  }
0xeb: {  	v4 =	vor.u32 v54, v1;
	v3 =	vld.idx.msk [tilespmem:v5+s12+$0x0], $0xffff  }
0xec: {  	v2 =	vor.u32 v33, v2;
	_ =	sdelay $0x3  }
0xed: {  	[tilespmem:v4+s16+$0x0] =	vst.idx.msk $0xffff, v3  }
0xee: {  	v3 =	vor.u32 v50, v1;
	v2 =	vld.idx.msk [tilespmem:v2+s12+$0x0], $0xffff  }
0xef: {  	v4 =	vor.u32 v49, v0;
	_ =	sdelay $0x3  }
0xf0: {  	[tilespmem:v3+s16+$0x0] =	vst.idx.msk $0xffff, v2  }
0xf1: {  	v3 =	vor.u32 v47, v1;
	v2 =	vld.idx.msk [tilespmem:v4+s12+$0x0], $0xffff  }
0xf2: {  	v4 =	vor.u32 v62, v0;
	_ =	sdelay $0x3  }
0xf3: {  	[tilespmem:v3+s16+$0x0] =	vst.idx.msk $0xffff, v2  }
0xf4: {  	v3 =	vor.u32 v52, v1;
	v2 =	vld.idx.msk [tilespmem:v4+s12+$0x0], $0xffff  }
0xf5: {  	v4 =	vor.u32 v38, v0;
	_ =	sdelay $0x3  }
0xf6: {  	[tilespmem:v3+s16+$0x0] =	vst.idx.msk $0xffff, v2  }
0xf7: {  	v2 =	vld.idx.msk [tilespmem:v4+s12+$0x0], $0xffff  }
0xf8: {  	v3 =	vor.u32 v12, v1;
	v4 =	vld [tilespmem:$0x1FF80];
	_ =	sdelay $0x4  }
0xf9: {  	v4 =	vor.u32 v4, v0;
	[tilespmem:v3+s16+$0x0] =	vst.idx.msk $0xffff, v2;
	v3 =	vld [tilespmem:$0x1FF20];
	_ =	sdelay $0x4  }
0xfa: {  	v2 =	vld.idx.msk [tilespmem:v4+s12+$0x0], $0xffff;
	v3 =	vor.u32 v3, v1;
	_ =	sdelay $0x4  }
0xfb: {  	v4 =	vor.u32 v51, v0;
	[tilespmem:v3+s16+$0x0] =	vst.idx.msk $0xffff, v2;
	v3 =	vld [tilespmem:$0x1FD40];
	_ =	sdelay $0x4  }
0xfc: {  	v2 =	vld.idx.msk [tilespmem:v4+s12+$0x0], $0xffff;
	v3 =	vor.u32 v3, v1;
	_ =	sdelay $0x4  }
0xfd: {  	v4 =	vor.u32 v16, v0;
	[tilespmem:v3+s16+$0x0] =	vst.idx.msk $0xffff, v2;
	v3 =	vld [tilespmem:$0x1FD50];
	_ =	sdelay $0x4  }
0xfe: {  	v2 =	vld.idx.msk [tilespmem:v4+s12+$0x0], $0xffff;
	v3 =	vor.u32 v3, v1  }
0xff: {  	v4 =	vor.u32 v22, v0;
	_ =	sdelay $0x3  }
0x100: {  	[tilespmem:v3+s16+$0x0] =	vst.idx.msk $0xffff, v2  }
0x101: {  	v3 =	vor.u32 v32, v1;
	v2 =	vld.idx.msk [tilespmem:v4+s12+$0x0], $0xffff  }
0x102: {  	p0 =	sne.s32 s22, $0xF;
	v4 =	vor.u32 v24, v0  }
.Ltmp0:
0x103: {  	_ = 	snop;
	(pc) =	sbr.rel @p0 .LBB2_3-.Ltmp0, $3  }
0x104: {  	_ =	sdelay $0x1  }
0x105: {  	[tilespmem:v3+s16+$0x0] =	vst.idx.msk $0xffff, v2  }
0x106: {  	v0 =	vadd.s32 s22, v8;
	s22 =	sadd.s32 $0x1, s22;
	v3 =	vld.idx.msk [tilespmem:v4+s12+$0x0], $0xffff  }
0x107: {  	v1 =	vor.u32 v39, v1;
	_ =	sdelay $0x2  }
0x108: {  	v2 =	vand.u32 $0xF, v0  }
0x109: {  	v4 =	vor.u32 v10, v2  }
0x10a: {  	[tilespmem:v1+s16+$0x0] =	vst.idx.msk $0xffff, v3;
	v3 =	vld [tilespmem:$0x1FF70];
	_ =	sdelay $0x1  }
0x10b: {  	v5 =	vshll.u32 v0, $0x7  }
0x10c: {  	v1 =	vand.u32 $0x780, v5  }
0x10d: {  	v39 =	vld.idx.msk [tilespmem:v4+s12+$0x0], $0xffff;
	v4 =	vor.u32 v8, v1  }
0x10e: {  	v5 =	vor.u32 v3, v2;
	_ =	sdelay $0x3  }
0x10f: {  	[tilespmem:v4+s16+$0x0] =	vst.idx.msk $0xffff, v39  }
0x110: {  	v4 =	vor.u32 v14, v1;
	v3 =	vld.idx.msk [tilespmem:v5+s12+$0x0], $0xffff  }
0x111: {  	v5 =	vor.u32 v60, v2;
	_ =	sdelay $0x3  }
0x112: {  	[tilespmem:v4+s16+$0x0] =	vst.idx.msk $0xffff, v3  }
0x113: {  	v4 =	vor.u32 v58, v1;
	v3 =	vld.idx.msk [tilespmem:v5+s12+$0x0], $0xffff  }
0x114: {  	v5 =	vor.u32 v31, v2;
	_ =	sdelay $0x3  }
0x115: {  	[tilespmem:v4+s16+$0x0] =	vst.idx.msk $0xffff, v3  }
0x116: {  	v4 =	vor.u32 v41, v1;
	v3 =	vld.idx.msk [tilespmem:v5+s12+$0x0], $0xffff  }
0x117: {  	v5 =	vor.u32 v35, v2;
	_ =	sdelay $0x3  }
0x118: {  	[tilespmem:v4+s16+$0x0] =	vst.idx.msk $0xffff, v3  }
0x119: {  	v4 =	vor.u32 v9, v1;
	v3 =	vld.idx.msk [tilespmem:v5+s12+$0x0], $0xffff  }
0x11a: {  	v5 =	vor.u32 v37, v2;
	_ =	sdelay $0x3  }
0x11b: {  	[tilespmem:v4+s16+$0x0] =	vst.idx.msk $0xffff, v3  }
0x11c: {  	v4 =	vor.u32 v11, v1;
	v3 =	vld.idx.msk [tilespmem:v5+s12+$0x0], $0xffff  }
0x11d: {  	v5 =	vor.u32 v46, v2;
	_ =	sdelay $0x3  }
0x11e: {  	[tilespmem:v4+s16+$0x0] =	vst.idx.msk $0xffff, v3  }
0x11f: {  	v4 =	vor.u32 v45, v1;
	v3 =	vld.idx.msk [tilespmem:v5+s12+$0x0], $0xffff  }
0x120: {  	v5 =	vor.u32 v48, v2;
	_ =	sdelay $0x3  }
0x121: {  	[tilespmem:v4+s16+$0x0] =	vst.idx.msk $0xffff, v3  }
0x122: {  	v4 =	vor.u32 v42, v1;
	v3 =	vld.idx.msk [tilespmem:v5+s12+$0x0], $0xffff  }
0x123: {  	v5 =	vor.u32 v19, v0;
	_ =	sdelay $0x3  }
0x124: {  	[tilespmem:v4+s16+$0x0] =	vst.idx.msk $0xffff, v3  }
0x125: {  	v4 =	vor.u32 v21, v1;
	v3 =	vld.idx.msk [tilespmem:v5+s12+$0x0], $0xffff  }
0x126: {  	v5 =	vor.u32 v7, v0;
	_ =	sdelay $0x3  }
0x127: {  	[tilespmem:v4+s16+$0x0] =	vst.idx.msk $0xffff, v3  }
0x128: {  	v4 =	vor.u32 v23, v1;
	v3 =	vld.idx.msk [tilespmem:v5+s12+$0x0], $0xffff  }
0x129: {  	v5 =	vor.u32 v53, v0;
	_ =	sdelay $0x3  }
0x12a: {  	[tilespmem:v4+s16+$0x0] =	vst.idx.msk $0xffff, v3  }
0x12b: {  	v4 =	vor.u32 v25, v1;
	v3 =	vld.idx.msk [tilespmem:v5+s12+$0x0], $0xffff  }
0x12c: {  	v5 =	vor.u32 v28, v0;
	_ =	sdelay $0x3  }
0x12d: {  	[tilespmem:v4+s16+$0x0] =	vst.idx.msk $0xffff, v3  }
0x12e: {  	v4 =	vor.u32 v34, v1;
	v3 =	vld.idx.msk [tilespmem:v5+s12+$0x0], $0xffff  }
0x12f: {  	v5 =	vor.u32 v27, v0;
	_ =	sdelay $0x3  }
0x130: {  	[tilespmem:v4+s16+$0x0] =	vst.idx.msk $0xffff, v3  }
0x131: {  	v4 =	vor.u32 v29, v1;
	v3 =	vld.idx.msk [tilespmem:v5+s12+$0x0], $0xffff  }
0x132: {  	v5 =	vor.u32 v43, v0  }
0x133: {  	v11 =	vld [tilespmem:$0x1FF60];
	_ =	sdelay $0x2  }
0x134: {  	[tilespmem:v4+s16+$0x0] =	vst.idx.msk $0xffff, v3  }
0x135: {  	v4 =	vor.u32 v56, v1;
	v3 =	vld.idx.msk [tilespmem:v5+s12+$0x0], $0xffff  }
0x136: {  	v5 =	vor.u32 v11, v0;
	_ =	sdelay $0x3  }
0x137: {  	[tilespmem:v4+s16+$0x0] =	vst.idx.msk $0xffff, v3  }
0x138: {  	v4 =	vor.u32 v59, v1;
	v3 =	vld.idx.msk [tilespmem:v5+s12+$0x0], $0xffff  }
0x139: {  	v5 =	vor.u32 v15, v0;
	_ =	sdelay $0x3  }
0x13a: {  	[tilespmem:v4+s16+$0x0] =	vst.idx.msk $0xffff, v3  }
0x13b: {  	v4 =	vor.u32 v57, v1;
	v3 =	vld.idx.msk [tilespmem:v5+s12+$0x0], $0xffff  }
0x13c: {  	v5 =	vor.u32 v13, v2;
	_ =	sdelay $0x3  }
0x13d: {  	[tilespmem:v4+s16+$0x0] =	vst.idx.msk $0xffff, v3  }
0x13e: {  	v4 =	vor.u32 v6, v1;
	v3 =	vld.idx.msk [tilespmem:v5+s12+$0x0], $0xffff  }
0x13f: {  	v5 =	vor.u32 v30, v2;
	_ =	sdelay $0x3  }
0x140: {  	[tilespmem:v4+s16+$0x0] =	vst.idx.msk $0xffff, v3  }
0x141: {  	v4 =	vor.u32 v61, v1;
	v3 =	vld.idx.msk [tilespmem:v5+s12+$0x0], $0xffff  }
0x142: {  	v5 =	vor.u32 v26, v2;
	_ =	sdelay $0x3  }
0x143: {  	[tilespmem:v4+s16+$0x0] =	vst.idx.msk $0xffff, v3  }
0x144: {  	v4 =	vor.u32 v40, v1;
	v3 =	vld.idx.msk [tilespmem:v5+s12+$0x0], $0xffff  }
0x145: {  	v5 =	vor.u32 v17, v2;
	_ =	sdelay $0x3  }
0x146: {  	[tilespmem:v4+s16+$0x0] =	vst.idx.msk $0xffff, v3  }
0x147: {  	v4 =	vor.u32 v36, v1;
	v3 =	vld.idx.msk [tilespmem:v5+s12+$0x0], $0xffff  }
0x148: {  	v5 =	vor.u32 v18, v2;
	_ =	sdelay $0x3  }
0x149: {  	[tilespmem:v4+s16+$0x0] =	vst.idx.msk $0xffff, v3  }
0x14a: {  	v4 =	vor.u32 v63, v1;
	v3 =	vld.idx.msk [tilespmem:v5+s12+$0x0], $0xffff  }
0x14b: {  	v5 =	vor.u32 v20, v2;
	_ =	sdelay $0x3  }
0x14c: {  	[tilespmem:v4+s16+$0x0] =	vst.idx.msk $0xffff, v3  }
0x14d: {  	v4 =	vor.u32 v55, v1;
	v3 =	vld.idx.msk [tilespmem:v5+s12+$0x0], $0xffff  }
0x14e: {  	v5 =	vor.u32 v44, v2;
	_ =	sdelay $0x3  }
0x14f: {  	[tilespmem:v4+s16+$0x0] =	vst.idx.msk $0xffff, v3  }
0x150: {  	v4 =	vor.u32 v54, v1;
	v3 =	vld.idx.msk [tilespmem:v5+s12+$0x0], $0xffff  }
0x151: {  	v2 =	vor.u32 v33, v2;
	_ =	sdelay $0x3  }
0x152: {  	[tilespmem:v4+s16+$0x0] =	vst.idx.msk $0xffff, v3  }
0x153: {  	v3 =	vor.u32 v50, v1;
	v2 =	vld.idx.msk [tilespmem:v2+s12+$0x0], $0xffff  }
0x154: {  	v4 =	vor.u32 v49, v0;
	_ =	sdelay $0x3  }
0x155: {  	[tilespmem:v3+s16+$0x0] =	vst.idx.msk $0xffff, v2  }
0x156: {  	v3 =	vor.u32 v47, v1;
	v2 =	vld.idx.msk [tilespmem:v4+s12+$0x0], $0xffff  }
0x157: {  	v4 =	vor.u32 v62, v0;
	_ =	sdelay $0x3  }
0x158: {  	[tilespmem:v3+s16+$0x0] =	vst.idx.msk $0xffff, v2  }
0x159: {  	v3 =	vor.u32 v52, v1;
	v2 =	vld.idx.msk [tilespmem:v4+s12+$0x0], $0xffff  }
0x15a: {  	v4 =	vor.u32 v38, v0;
	_ =	sdelay $0x3  }
0x15b: {  	v40 =	vld [tilespmem:$0x1FF80];
	[tilespmem:v3+s16+$0x0] =	vst.idx.msk $0xffff, v2  }
0x15c: {  	v3 =	vor.u32 v12, v1;
	v2 =	vld.idx.msk [tilespmem:v4+s12+$0x0], $0xffff;
	_ =	sdelay $0x4  }
0x15d: {  	v4 =	vor.u32 v40, v0;
	[tilespmem:v3+s16+$0x0] =	vst.idx.msk $0xffff, v2;
	v3 =	vld [tilespmem:$0x1FF20];
	_ =	sdelay $0x4  }
0x15e: {  	v2 =	vld.idx.msk [tilespmem:v4+s12+$0x0], $0xffff;
	v3 =	vor.u32 v3, v1;
	_ =	sdelay $0x4  }
0x15f: {  	v4 =	vor.u32 v51, v0;
	[tilespmem:v3+s16+$0x0] =	vst.idx.msk $0xffff, v2;
	v3 =	vld [tilespmem:$0x1FD40];
	_ =	sdelay $0x4  }
0x160: {  	v2 =	vld.idx.msk [tilespmem:v4+s12+$0x0], $0xffff;
	v3 =	vor.u32 v3, v1;
	_ =	sdelay $0x4  }
0x161: {  	v4 =	vor.u32 v16, v0;
	[tilespmem:v3+s16+$0x0] =	vst.idx.msk $0xffff, v2;
	v3 =	vld [tilespmem:$0x1FD50];
	_ =	sdelay $0x4  }
0x162: {  	v2 =	vld.idx.msk [tilespmem:v4+s12+$0x0], $0xffff;
	v3 =	vor.u32 v3, v1  }
0x163: {  	v4 =	vor.u32 v22, v0;
	_ =	sdelay $0x3  }
0x164: {  	[tilespmem:v3+s16+$0x0] =	vst.idx.msk $0xffff, v2  }
0x165: {  	v3 =	vor.u32 v32, v1;
	v2 =	vld.idx.msk [tilespmem:v4+s12+$0x0], $0xffff;
	_ =	sdelay $0x4  }
0x166: {  	v0 =	vor.u32 v24, v0;
	[tilespmem:v3+s16+$0x0] =	vst.idx.msk $0xffff, v2;
	v2 =	vld [tilespmem:$0x1FD70];
	_ =	sdelay $0x4  }
0x167: {  	p0 =	seq.s32 s20, $0x27;
	v0 =	vld.idx.msk [tilespmem:v0+s12+$0x0], $0xffff;
	v1 =	vor.u32 v2, v1  }
0x168: {  	s22 =	sadd.s32 @!p0 $0x2, s21  }
0x169: {  	s28 =	sshll.u32 s20, $0x10;
	s23 =	sshll.u32 @!p0 s22, $0x7;
	s24 =	sshll.u32 @!p0 s22, $0xA  }
0x16a: {  	s22 =	sshll.u32 @!p0 s22, $0x5;
	s23 =	sand.u32 @!p0 $0x7000, s23;
	s24 =	sand.u32 @!p0 $0x800, s24  }
0x16b: {  	s29 =	sshll.u32 s20, $0x8;
	s22 =	sand.u32 @!p0 $0x380, s22;
	s23 =	sor.u32 @!p0 s24, s23  }
0x16c: {  	s24 =	simm.s32 @!p0 $0x3000;
	s22 =	sor.u32 @!p0 s22, s23;
	s23 =	simm.s32 @!p0 $0x80;
	[tilespmem:v1+s16+$0x0] =	vst.idx.msk $0xffff, v0  }
0x16d: {  	[tilespmem:s24], [sflag:$0x1] =	stream.indirect.gather @!p0 [hbm4b:s5+s23], $0x80, s22, s23, $0xb8;
	[tilespmem:$0xF000] =	vst v63  }
0x16e: {  	s22 =	sand.u32 $0x3E0000, s28;
	s23 =	sand.u32 $0x100, s29  }
0x16f: {  	s23 =	sor.u32 s23, s4;
	s22 =	sadd.s32 s1, s22  }
0x170: {  	s22 =	sadd.s32 s23, s22  }
0x171: {  	[hbm4b:s22+s13] =	stream.strided.scatter [tilespmem:s16], [sflag:$0x2], $0x2000, s9, s13, $0x38;
	[tilespmem:$0xF000] =	vst v63  }
0x172: {  	s30 =	simm.s32 $0x0;
	_ =	swait.ge [sflag:s15], $0x4000  }
0x173: {  	v1 =	vadd.s32 s30, v8;
	[sflag:s15] =	ssyncset.done $0x0  }
0x174: {  	v0 =	vand.u32 $0xF, v1;
	s23 =	simm.s32 @!p1 $0x2;
	[sflag:s15] =	ssyncadd.s32 $0xFFFFC000  }
0x175: {  	v2 =	vor.u32 v10, v0;
	_ =	swait.ge @!p1 [sflag:s23], $0x2000  }
0x176: {  	v63 =	vmov v62;
	v62 =	vld [tilespmem:$0x1FF70];
	_ =	sdelay $0x1  }
0x177: {  	v3 =	vshll.u32 v1, $0x7;
	[sflag:s23] =	ssyncset.done @!p1 $0x0  }
0x178: {  	v14 =	vmovc v31;
	v31 =	vmovc v35;
	v35 =	vmov v37;
	v37 =	vand.u32 $0x780, v3;
	v3 =	vor.u32 $0x2000, v8;
	[sflag:s23] =	ssyncadd.s32 @!p1 $0xFFFFE000  }
0x179: {  	v4 =	vor.u32 v3, v37;
	v2 =	vld.idx.msk [tilespmem:v2+s14+$0x0], $0xffff  }
0x17a: {  	v6 =	vor.u32 v62, v0;
	_ =	sdelay $0x3  }
0x17b: {  	v45 =	vmovc v17;
	v17 =	vmov v48;
	v48 =	vmov v3;
	v3 =	vor.u32 $0x2010, v8;
	[tilespmem:v4+s16+$0x0] =	vst.idx.msk $0xffff, v2  }
0x17c: {  	v4 =	vor.u32 v3, v37;
	v2 =	vld.idx.msk [tilespmem:v6+s14+$0x0], $0xffff  }
0x17d: {  	v6 =	vor.u32 v60, v0;
	_ =	sdelay $0x3  }
0x17e: {  	[tilespmem:v4+s16+$0x0] =	vst.idx.msk $0xffff, v2;
	v4 =	vor.u32 $0x2020, v8  }
0x17f: {  	v59 =	vmov v18;
	v18 =	vmov v14;
	v2 =	vld.idx.msk [tilespmem:v6+s14+$0x0], $0xffff;
	[tilespmem:$0x1FD00] =	vst v4;
	v4 =	vor.u32 v4, v37  }
0x180: {  	v6 =	vor.u32 v18, v0;
	_ =	sdelay $0x3  }
0x181: {  	[tilespmem:v4+s16+$0x0] =	vst.idx.msk $0xffff, v2;
	v4 =	vor.u32 $0x2030, v8  }
0x182: {  	v2 =	vld.idx.msk [tilespmem:v6+s14+$0x0], $0xffff;
	[tilespmem:$0x1FD10] =	vst v4;
	v4 =	vor.u32 v4, v37  }
0x183: {  	v6 =	vor.u32 v31, v0;
	_ =	sdelay $0x3  }
0x184: {  	[tilespmem:v4+s16+$0x0] =	vst.idx.msk $0xffff, v2;
	v4 =	vor.u32 $0x2040, v8  }
0x185: {  	v2 =	vld.idx.msk [tilespmem:v6+s14+$0x0], $0xffff;
	[tilespmem:$0x1FD20] =	vst v4;
	v4 =	vor.u32 v4, v37  }
0x186: {  	v6 =	vor.u32 v35, v0;
	_ =	sdelay $0x3  }
0x187: {  	[tilespmem:v4+s16+$0x0] =	vst.idx.msk $0xffff, v2;
	v4 =	vor.u32 $0x2050, v8  }
0x188: {  	v2 =	vld.idx.msk [tilespmem:v6+s14+$0x0], $0xffff;
	v50 =	vmov v4;
	v4 =	vor.u32 v4, v37  }
0x189: {  	v6 =	vor.u32 v46, v0;
	_ =	sdelay $0x3  }
0x18a: {  	[tilespmem:v4+s16+$0x0] =	vst.idx.msk $0xffff, v2;
	v4 =	vor.u32 $0x2060, v8  }
0x18b: {  	v2 =	vld.idx.msk [tilespmem:v6+s14+$0x0], $0xffff;
	v5 =	vmov v4;
	v4 =	vor.u32 v4, v37  }
0x18c: {  	v6 =	vor.u32 v17, v0;
	_ =	sdelay $0x3  }
0x18d: {  	[tilespmem:v4+s16+$0x0] =	vst.idx.msk $0xffff, v2;
	v4 =	vor.u32 $0x2070, v8  }
0x18e: {  	v61 =	vmov v20;
	v2 =	vld.idx.msk [tilespmem:v6+s14+$0x0], $0xffff;
	v20 =	vmov v4;
	v4 =	vor.u32 v4, v37  }
0x18f: {  	v6 =	vor.u32 v19, v1;
	_ =	sdelay $0x1  }
0x190: {  	v23 =	vmov v43;
	_ =	sdelay $0x1  }
0x191: {  	v41 =	vmov v30;
	v34 =	vmov v22;
	[tilespmem:v4+s16+$0x0] =	vst.idx.msk $0xffff, v2;
	v4 =	vor.u32 $0x2800, v8  }
0x192: {  	v30 =	vmovc v16;
	v16 =	vmovc v23;
	v22 =	vmov v7;
	v2 =	vld.idx.msk [tilespmem:v6+s14+$0x0], $0xffff;
	v23 =	vmov v4;
	v4 =	vor.u32 v4, v37  }
0x193: {  	v6 =	vor.u32 v22, v1;
	_ =	sdelay $0x3  }
0x194: {  	[tilespmem:v4+s16+$0x0] =	vst.idx.msk $0xffff, v2;
	v4 =	vor.u32 $0x2810, v8  }
0x195: {  	v7 =	vmov v3;
	v2 =	vld.idx.msk [tilespmem:v6+s14+$0x0], $0xffff;
	v3 =	vmov v4;
	v4 =	vor.u32 v4, v37  }
0x196: {  	v6 =	vor.u32 v53, v1;
	_ =	sdelay $0x3  }
0x197: {  	[tilespmem:v4+s16+$0x0] =	vst.idx.msk $0xffff, v2;
	v4 =	vor.u32 $0x2820, v8  }
0x198: {  	v58 =	vmov v13;
	v2 =	vld.idx.msk [tilespmem:v6+s14+$0x0], $0xffff;
	v13 =	vmov v4;
	v4 =	vor.u32 v4, v37  }
0x199: {  	v6 =	vor.u32 v28, v1;
	_ =	sdelay $0x3  }
0x19a: {  	v25 =	vor.u32 $0x2830, v8;
	[tilespmem:v4+s16+$0x0] =	vst.idx.msk $0xffff, v2  }
0x19b: {  	v4 =	vor.u32 v25, v37;
	v2 =	vld.idx.msk [tilespmem:v6+s14+$0x0], $0xffff  }
0x19c: {  	v6 =	vor.u32 v27, v1;
	_ =	sdelay $0x3  }
0x19d: {  	v14 =	vmov v27;
	v27 =	vor.u32 $0x2840, v8;
	[tilespmem:v4+s16+$0x0] =	vst.idx.msk $0xffff, v2  }
0x19e: {  	v4 =	vor.u32 v27, v37;
	v2 =	vld.idx.msk [tilespmem:v6+s14+$0x0], $0xffff  }
0x19f: {  	v6 =	vor.u32 v16, v1;
	_ =	sdelay $0x3  }
0x1a0: {  	v29 =	vor.u32 $0x2850, v8;
	[tilespmem:v4+s16+$0x0] =	vst.idx.msk $0xffff, v2  }
0x1a1: {  	v4 =	vor.u32 v29, v37;
	v2 =	vld.idx.msk [tilespmem:v6+s14+$0x0], $0xffff  }
0x1a2: {  	v6 =	vor.u32 v11, v1;
	_ =	sdelay $0x3  }
0x1a3: {  	v31 =	vor.u32 $0x2860, v8;
	[tilespmem:v4+s16+$0x0] =	vst.idx.msk $0xffff, v2  }
0x1a4: {  	v9 =	vmov v15;
	v4 =	vor.u32 v31, v37;
	v2 =	vld.idx.msk [tilespmem:v6+s14+$0x0], $0xffff  }
0x1a5: {  	v6 =	vor.u32 v9, v1;
	_ =	sdelay $0x3  }
0x1a6: {  	v21 =	vmov v22;
	v22 =	vor.u32 $0x2870, v8;
	[tilespmem:v4+s16+$0x0] =	vst.idx.msk $0xffff, v2  }
0x1a7: {  	v4 =	vor.u32 v22, v37;
	v2 =	vld.idx.msk [tilespmem:v6+s14+$0x0], $0xffff  }
0x1a8: {  	v6 =	vor.u32 v58, v0;
	_ =	sdelay $0x3  }
0x1a9: {  	v60 =	vor.u32 $0x3000, v8;
	[tilespmem:v4+s16+$0x0] =	vst.idx.msk $0xffff, v2  }
0x1aa: {  	v4 =	vor.u32 v60, v37;
	v2 =	vld.idx.msk [tilespmem:v6+s14+$0x0], $0xffff  }
0x1ab: {  	v6 =	vor.u32 v41, v0;
	_ =	sdelay $0x3  }
0x1ac: {  	v39 =	vor.u32 $0x3010, v8;
	[tilespmem:v4+s16+$0x0] =	vst.idx.msk $0xffff, v2  }
0x1ad: {  	v43 =	vmov v26;
	v4 =	vor.u32 v39, v37;
	v2 =	vld.idx.msk [tilespmem:v6+s14+$0x0], $0xffff  }
0x1ae: {  	v6 =	vor.u32 v43, v0;
	_ =	sdelay $0x3  }
0x1af: {  	v56 =	vor.u32 $0x3020, v8;
	[tilespmem:v4+s16+$0x0] =	vst.idx.msk $0xffff, v2  }
0x1b0: {  	v4 =	vor.u32 v56, v37;
	v2 =	vld.idx.msk [tilespmem:v6+s14+$0x0], $0xffff  }
0x1b1: {  	v6 =	vor.u32 v45, v0;
	_ =	sdelay $0x3  }
0x1b2: {  	v32 =	vor.u32 $0x3030, v8;
	[tilespmem:v4+s16+$0x0] =	vst.idx.msk $0xffff, v2  }
0x1b3: {  	v4 =	vor.u32 v32, v37;
	v2 =	vld.idx.msk [tilespmem:v6+s14+$0x0], $0xffff  }
0x1b4: {  	v6 =	vor.u32 v59, v0;
	_ =	sdelay $0x3  }
0x1b5: {  	v54 =	vor.u32 $0x3040, v8;
	[tilespmem:v4+s16+$0x0] =	vst.idx.msk $0xffff, v2  }
0x1b6: {  	v4 =	vor.u32 v54, v37;
	v2 =	vld.idx.msk [tilespmem:v6+s14+$0x0], $0xffff  }
0x1b7: {  	v6 =	vor.u32 v61, v0;
	_ =	sdelay $0x3  }
0x1b8: {  	v47 =	vor.u32 $0x3050, v8;
	[tilespmem:v4+s16+$0x0] =	vst.idx.msk $0xffff, v2  }
0x1b9: {  	v55 =	vmov v44;
	v4 =	vor.u32 v47, v37;
	v2 =	vld.idx.msk [tilespmem:v6+s14+$0x0], $0xffff  }
0x1ba: {  	v6 =	vor.u32 v55, v0;
	_ =	sdelay $0x3  }
0x1bb: {  	v57 =	vmov v49;
	v49 =	vor.u32 $0x3060, v8;
	[tilespmem:v4+s16+$0x0] =	vst.idx.msk $0xffff, v2  }
0x1bc: {  	v36 =	vmov v33;
	v4 =	vor.u32 v49, v37;
	v2 =	vld.idx.msk [tilespmem:v6+s14+$0x0], $0xffff  }
0x1bd: {  	v0 =	vor.u32 v36, v0;
	_ =	sdelay $0x3  }
0x1be: {  	v18 =	vmov v19;
	v19 =	vor.u32 $0x3070, v8;
	[tilespmem:v4+s16+$0x0] =	vst.idx.msk $0xffff, v2  }
0x1bf: {  	v2 =	vor.u32 v19, v37;
	v0 =	vld.idx.msk [tilespmem:v0+s14+$0x0], $0xffff  }
0x1c0: {  	v4 =	vor.u32 v57, v1;
	_ =	sdelay $0x3  }
0x1c1: {  	v33 =	vmov v53;
	v53 =	vor.u32 $0x3800, v8;
	[tilespmem:v2+s16+$0x0] =	vst.idx.msk $0xffff, v0  }
0x1c2: {  	v2 =	vor.u32 v53, v37;
	v0 =	vld.idx.msk [tilespmem:v4+s14+$0x0], $0xffff  }
0x1c3: {  	v4 =	vor.u32 v63, v1;
	_ =	sdelay $0x3  }
0x1c4: {  	v35 =	vmovc v28;
	v28 =	vmov v11;
	v11 =	vmov v9;
	v9 =	vor.u32 $0x3810, v8;
	[tilespmem:v2+s16+$0x0] =	vst.idx.msk $0xffff, v0  }
0x1c5: {  	v2 =	vor.u32 v9, v37;
	v0 =	vld.idx.msk [tilespmem:v4+s14+$0x0], $0xffff  }
0x1c6: {  	v4 =	vor.u32 v38, v1;
	_ =	sdelay $0x3  }
0x1c7: {  	v44 =	vmov v46;
	v46 =	vor.u32 $0x3820, v8;
	[tilespmem:v2+s16+$0x0] =	vst.idx.msk $0xffff, v0  }
0x1c8: {  	v2 =	vor.u32 v46, v37;
	v0 =	vld.idx.msk [tilespmem:v4+s14+$0x0], $0xffff  }
0x1c9: {  	v4 =	vor.u32 v40, v1  }
0x1ca: {  	v42 =	vmov v51;
	_ =	sdelay $0x2  }
0x1cb: {  	v6 =	vmov v42;
	v42 =	vmov v38;
	v38 =	vor.u32 $0x3830, v8;
	[tilespmem:v2+s16+$0x0] =	vst.idx.msk $0xffff, v0  }
0x1cc: {  	v2 =	vor.u32 v38, v37;
	v0 =	vld.idx.msk [tilespmem:v4+s14+$0x0], $0xffff  }
0x1cd: {  	v4 =	vor.u32 v6, v1;
	_ =	sdelay $0x3  }
0x1ce: {  	v51 =	vmov v24;
	v24 =	vmov v34;
	v34 =	vor.u32 $0x3840, v8;
	[tilespmem:v2+s16+$0x0] =	vst.idx.msk $0xffff, v0  }
0x1cf: {  	v2 =	vor.u32 v34, v37;
	v0 =	vld.idx.msk [tilespmem:v4+s14+$0x0], $0xffff  }
0x1d0: {  	v4 =	vor.u32 v30, v1;
	_ =	sdelay $0x3  }
0x1d1: {  	v15 =	vor.u32 $0x3850, v8;
	[tilespmem:v2+s16+$0x0] =	vst.idx.msk $0xffff, v0  }
0x1d2: {  	v2 =	vor.u32 v15, v37;
	v0 =	vld.idx.msk [tilespmem:v4+s14+$0x0], $0xffff  }
0x1d3: {  	v4 =	vor.u32 v24, v1;
	_ =	sdelay $0x3  }
0x1d4: {  	[tilespmem:v2+s16+$0x0] =	vst.idx.msk $0xffff, v0;
	v0 =	vor.u32 $0x3860, v8  }
0x1d5: {  	v12 =	vmov v51;
	v2 =	vld.idx.msk [tilespmem:v4+s14+$0x0], $0xffff;
	v4 =	vor.u32 v0, v37  }
0x1d6: {  	v1 =	vor.u32 v12, v1;
	_ =	sdelay $0x3  }
0x1d7: {  	s31 =	simm.s32 $0x1;
	v26 =	vmov v17;
	v52 =	vmov v62;
	v62 =	vmov v16;
	v17 =	vld [tilespmem:$0x1FF90];
	[tilespmem:v4+s16+$0x0] =	vst.idx.msk $0xffff, v2  }
0x1d8: {  	s23 =	simm.s32 $0x2;
	v16 =	vmovc v24;
	v51 =	vmovc v6;
	v24 =	vmov v12;
	v2 =	vadd.s32 s31, v8;
	v6 =	vld.idx.msk [tilespmem:v1+s14+$0x0], $0xffff;
	v1 =	vor.u32 $0x3870, v8  }
.LBB2_5:
0x1d9: {  	v4 =	vand.u32 $0xF, v2;
	v37 =	vor.u32 v1, v37  }
0x1da: {  	v8 =	vor.u32 v10, v4;
	_ =	sdelay $0x2  }
0x1db: {  	v12 =	vmov v10;
	v10 =	vshll.u32 v2, $0x7  }
0x1dc: {  	[tilespmem:v37+s16+$0x0] =	vst.idx.msk $0xffff, v6;
	v37 =	vand.u32 $0x780, v10  }
0x1dd: {  	v6 =	vld.idx.msk [tilespmem:v8+s14+$0x0], $0xffff;
	v8 =	vor.u32 v48, v37  }
0x1de: {  	v10 =	vor.u32 v52, v4;
	_ =	sdelay $0x3  }
0x1df: {  	[tilespmem:v8+s16+$0x0] =	vst.idx.msk $0xffff, v6  }
0x1e0: {  	v8 =	vor.u32 v7, v37;
	v6 =	vld.idx.msk [tilespmem:v10+s14+$0x0], $0xffff  }
0x1e1: {  	v10 =	vor.u32 v17, v4;
	_ =	sdelay $0x3  }
0x1e2: {  	[tilespmem:v8+s16+$0x0] =	vst.idx.msk $0xffff, v6;
	v8 =	vld [tilespmem:$0x1FD00]  }
0x1e3: {  	v6 =	vld.idx.msk [tilespmem:v10+s14+$0x0], $0xffff  }
0x1e4: {  	v10 =	vld [tilespmem:$0x1FF30];
	_ =	sdelay $0x3  }
0x1e5: {  	v8 =	vor.u32 v8, v37  }
0x1e6: {  	v10 =	vor.u32 v10, v4;
	_ =	sdelay $0x3  }
0x1e7: {  	[tilespmem:v8+s16+$0x0] =	vst.idx.msk $0xffff, v6;
	v8 =	vld [tilespmem:$0x1FD10]  }
0x1e8: {  	v6 =	vld.idx.msk [tilespmem:v10+s14+$0x0], $0xffff  }
0x1e9: {  	v10 =	vld [tilespmem:$0x1FF40];
	_ =	sdelay $0x3  }
0x1ea: {  	v8 =	vor.u32 v8, v37  }
0x1eb: {  	v10 =	vor.u32 v10, v4;
	_ =	sdelay $0x3  }
0x1ec: {  	[tilespmem:v8+s16+$0x0] =	vst.idx.msk $0xffff, v6;
	v8 =	vld [tilespmem:$0x1FD20]  }
0x1ed: {  	v6 =	vld.idx.msk [tilespmem:v10+s14+$0x0], $0xffff  }
0x1ee: {  	v10 =	vld [tilespmem:$0x1FF50];
	_ =	sdelay $0x3  }
0x1ef: {  	v8 =	vor.u32 v8, v37  }
0x1f0: {  	v10 =	vor.u32 v10, v4;
	_ =	sdelay $0x3  }
0x1f1: {  	[tilespmem:v8+s16+$0x0] =	vst.idx.msk $0xffff, v6  }
0x1f2: {  	v8 =	vor.u32 v50, v37;
	v6 =	vld.idx.msk [tilespmem:v10+s14+$0x0], $0xffff  }
0x1f3: {  	v10 =	vor.u32 v44, v4;
	_ =	sdelay $0x3  }
0x1f4: {  	[tilespmem:v8+s16+$0x0] =	vst.idx.msk $0xffff, v6  }
0x1f5: {  	v8 =	vor.u32 v5, v37;
	v6 =	vld.idx.msk [tilespmem:v10+s14+$0x0], $0xffff  }
0x1f6: {  	v10 =	vor.u32 v26, v4;
	_ =	sdelay $0x3  }
0x1f7: {  	[tilespmem:v8+s16+$0x0] =	vst.idx.msk $0xffff, v6  }
0x1f8: {  	v8 =	vor.u32 v20, v37;
	v6 =	vld.idx.msk [tilespmem:v10+s14+$0x0], $0xffff  }
0x1f9: {  	v10 =	vor.u32 v18, v2;
	_ =	sdelay $0x3  }
0x1fa: {  	[tilespmem:v8+s16+$0x0] =	vst.idx.msk $0xffff, v6  }
0x1fb: {  	v8 =	vor.u32 v23, v37;
	v6 =	vld.idx.msk [tilespmem:v10+s14+$0x0], $0xffff  }
0x1fc: {  	v10 =	vor.u32 v21, v2;
	_ =	sdelay $0x3  }
0x1fd: {  	[tilespmem:v8+s16+$0x0] =	vst.idx.msk $0xffff, v6  }
0x1fe: {  	v8 =	vor.u32 v3, v37;
	v6 =	vld.idx.msk [tilespmem:v10+s14+$0x0], $0xffff  }
0x1ff: {  	v10 =	vor.u32 v33, v2;
	_ =	sdelay $0x3  }
0x200: {  	[tilespmem:v8+s16+$0x0] =	vst.idx.msk $0xffff, v6  }
0x201: {  	v8 =	vor.u32 v13, v37;
	v6 =	vld.idx.msk [tilespmem:v10+s14+$0x0], $0xffff  }
0x202: {  	v10 =	vor.u32 v35, v2;
	_ =	sdelay $0x3  }
0x203: {  	[tilespmem:v8+s16+$0x0] =	vst.idx.msk $0xffff, v6  }
0x204: {  	v8 =	vor.u32 v25, v37;
	v6 =	vld.idx.msk [tilespmem:v10+s14+$0x0], $0xffff  }
0x205: {  	v10 =	vor.u32 v14, v2;
	_ =	sdelay $0x3  }
0x206: {  	[tilespmem:v8+s16+$0x0] =	vst.idx.msk $0xffff, v6  }
0x207: {  	v8 =	vor.u32 v27, v37;
	v6 =	vld.idx.msk [tilespmem:v10+s14+$0x0], $0xffff  }
0x208: {  	v10 =	vor.u32 v62, v2;
	_ =	sdelay $0x3  }
0x209: {  	[tilespmem:v8+s16+$0x0] =	vst.idx.msk $0xffff, v6  }
0x20a: {  	v8 =	vor.u32 v29, v37;
	v6 =	vld.idx.msk [tilespmem:v10+s14+$0x0], $0xffff  }
0x20b: {  	v10 =	vor.u32 v28, v2;
	_ =	sdelay $0x3  }
0x20c: {  	[tilespmem:v8+s16+$0x0] =	vst.idx.msk $0xffff, v6  }
0x20d: {  	v8 =	vor.u32 v31, v37;
	v6 =	vld.idx.msk [tilespmem:v10+s14+$0x0], $0xffff  }
0x20e: {  	v10 =	vor.u32 v11, v2;
	_ =	sdelay $0x3  }
0x20f: {  	[tilespmem:v8+s16+$0x0] =	vst.idx.msk $0xffff, v6  }
0x210: {  	v8 =	vor.u32 v22, v37;
	v6 =	vld.idx.msk [tilespmem:v10+s14+$0x0], $0xffff  }
0x211: {  	v10 =	vor.u32 v58, v4;
	_ =	sdelay $0x3  }
0x212: {  	[tilespmem:v8+s16+$0x0] =	vst.idx.msk $0xffff, v6  }
0x213: {  	v8 =	vor.u32 v60, v37;
	v6 =	vld.idx.msk [tilespmem:v10+s14+$0x0], $0xffff  }
0x214: {  	v10 =	vor.u32 v41, v4;
	_ =	sdelay $0x3  }
0x215: {  	[tilespmem:v8+s16+$0x0] =	vst.idx.msk $0xffff, v6  }
0x216: {  	v8 =	vor.u32 v39, v37;
	v6 =	vld.idx.msk [tilespmem:v10+s14+$0x0], $0xffff  }
0x217: {  	v10 =	vor.u32 v43, v4;
	_ =	sdelay $0x3  }
0x218: {  	[tilespmem:v8+s16+$0x0] =	vst.idx.msk $0xffff, v6  }
0x219: {  	v8 =	vor.u32 v56, v37;
	v6 =	vld.idx.msk [tilespmem:v10+s14+$0x0], $0xffff  }
0x21a: {  	v10 =	vor.u32 v45, v4;
	_ =	sdelay $0x3  }
0x21b: {  	[tilespmem:v8+s16+$0x0] =	vst.idx.msk $0xffff, v6  }
0x21c: {  	v8 =	vor.u32 v32, v37;
	v6 =	vld.idx.msk [tilespmem:v10+s14+$0x0], $0xffff  }
0x21d: {  	v10 =	vor.u32 v59, v4;
	_ =	sdelay $0x3  }
0x21e: {  	[tilespmem:v8+s16+$0x0] =	vst.idx.msk $0xffff, v6  }
0x21f: {  	v8 =	vor.u32 v54, v37;
	v6 =	vld.idx.msk [tilespmem:v10+s14+$0x0], $0xffff  }
0x220: {  	v10 =	vor.u32 v61, v4;
	_ =	sdelay $0x3  }
0x221: {  	[tilespmem:v8+s16+$0x0] =	vst.idx.msk $0xffff, v6  }
0x222: {  	v8 =	vor.u32 v47, v37;
	v6 =	vld.idx.msk [tilespmem:v10+s14+$0x0], $0xffff  }
0x223: {  	v10 =	vor.u32 v55, v4;
	_ =	sdelay $0x3  }
0x224: {  	[tilespmem:v8+s16+$0x0] =	vst.idx.msk $0xffff, v6  }
0x225: {  	v8 =	vor.u32 v49, v37;
	v6 =	vld.idx.msk [tilespmem:v10+s14+$0x0], $0xffff  }
0x226: {  	v4 =	vor.u32 v36, v4;
	_ =	sdelay $0x3  }
0x227: {  	[tilespmem:v8+s16+$0x0] =	vst.idx.msk $0xffff, v6  }
0x228: {  	v6 =	vor.u32 v19, v37;
	v4 =	vld.idx.msk [tilespmem:v4+s14+$0x0], $0xffff  }
0x229: {  	v8 =	vor.u32 v57, v2;
	_ =	sdelay $0x3  }
0x22a: {  	[tilespmem:v6+s16+$0x0] =	vst.idx.msk $0xffff, v4  }
0x22b: {  	v6 =	vor.u32 v53, v37;
	v4 =	vld.idx.msk [tilespmem:v8+s14+$0x0], $0xffff  }
0x22c: {  	v8 =	vor.u32 v63, v2;
	_ =	sdelay $0x3  }
0x22d: {  	[tilespmem:v6+s16+$0x0] =	vst.idx.msk $0xffff, v4  }
0x22e: {  	v6 =	vor.u32 v9, v37;
	v4 =	vld.idx.msk [tilespmem:v8+s14+$0x0], $0xffff  }
0x22f: {  	v8 =	vor.u32 v42, v2;
	_ =	sdelay $0x3  }
0x230: {  	[tilespmem:v6+s16+$0x0] =	vst.idx.msk $0xffff, v4  }
0x231: {  	v6 =	vor.u32 v46, v37;
	v4 =	vld.idx.msk [tilespmem:v8+s14+$0x0], $0xffff  }
0x232: {  	v8 =	vor.u32 v40, v2;
	_ =	sdelay $0x3  }
0x233: {  	[tilespmem:v6+s16+$0x0] =	vst.idx.msk $0xffff, v4  }
0x234: {  	v6 =	vor.u32 v38, v37;
	v4 =	vld.idx.msk [tilespmem:v8+s14+$0x0], $0xffff  }
0x235: {  	v8 =	vor.u32 v51, v2;
	_ =	sdelay $0x3  }
0x236: {  	[tilespmem:v6+s16+$0x0] =	vst.idx.msk $0xffff, v4  }
0x237: {  	v6 =	vor.u32 v34, v37;
	v4 =	vld.idx.msk [tilespmem:v8+s14+$0x0], $0xffff  }
0x238: {  	v8 =	vor.u32 v30, v2;
	_ =	sdelay $0x3  }
0x239: {  	[tilespmem:v6+s16+$0x0] =	vst.idx.msk $0xffff, v4  }
0x23a: {  	v6 =	vor.u32 v15, v37;
	v4 =	vld.idx.msk [tilespmem:v8+s14+$0x0], $0xffff  }
0x23b: {  	v8 =	vor.u32 v16, v2;
	_ =	sdelay $0x3  }
0x23c: {  	[tilespmem:v6+s16+$0x0] =	vst.idx.msk $0xffff, v4  }
0x23d: {  	v6 =	vor.u32 v0, v37;
	v4 =	vld.idx.msk [tilespmem:v8+s14+$0x0], $0xffff  }
0x23e: {  	p1 =	sne.s32 s23, $0xF;
	v8 =	vor.u32 v24, v2  }
.Ltmp1:
0x23f: {  	_ = 	snop;
	(pc) =	sbr.rel @p1 .LBB2_5-.Ltmp1, $3  }
0x240: {  	_ =	sdelay $0x1  }
0x241: {  	v2 =	vlaneseq.u32;
	[tilespmem:v6+s16+$0x0] =	vst.idx.msk $0xffff, v4  }
0x242: {  	v10 =	vmov v12;
	v2 =	vadd.s32 s23, v2;
	s23 =	sadd.s32 $0x1, s23;
	v6 =	vld.idx.msk [tilespmem:v8+s14+$0x0], $0xffff  }
0x243: {  	v4 =	vand.u32 $0xF, v2;
	v8 =	vor.u32 v1, v37  }
0x244: {  	v10 =	vor.u32 v12, v4;
	_ =	sdelay $0x2  }
0x245: {  	v37 =	vshll.u32 v2, $0x7  }
0x246: {  	[tilespmem:v8+s16+$0x0] =	vst.idx.msk $0xffff, v6;
	v6 =	vand.u32 $0x780, v37  }
0x247: {  	v8 =	vld.idx.msk [tilespmem:v10+s14+$0x0], $0xffff;
	v37 =	vor.u32 v48, v6  }
0x248: {  	v10 =	vor.u32 v52, v4;
	_ =	sdelay $0x3  }
0x249: {  	[tilespmem:v37+s16+$0x0] =	vst.idx.msk $0xffff, v8  }
0x24a: {  	v37 =	vld.idx.msk [tilespmem:v10+s14+$0x0], $0xffff  }
0x24b: {  	v10 =	vmov v12;
	v12 =	vor.u32 v7, v6;
	v7 =	vld [tilespmem:$0x1FD00];
	_ =	sdelay $0x3  }
0x24c: {  	v8 =	vor.u32 v17, v4  }
0x24d: {  	[tilespmem:v12+s16+$0x0] =	vst.idx.msk $0xffff, v37;
	v12 =	vor.u32 v7, v6;
	v7 =	vld [tilespmem:$0x1FF30];
	_ =	sdelay $0x3  }
0x24e: {  	v8 =	vld.idx.msk [tilespmem:v8+s14+$0x0], $0xffff  }
0x24f: {  	v48 =	vor.u32 v7, v4  }
0x250: {  	v7 =	vld [tilespmem:$0x1FD10];
	_ =	sdelay $0x2  }
0x251: {  	[tilespmem:v12+s16+$0x0] =	vst.idx.msk $0xffff, v8  }
0x252: {  	v8 =	vld.idx.msk [tilespmem:v48+s14+$0x0], $0xffff  }
0x253: {  	v48 =	vor.u32 v7, v6;
	v7 =	vld [tilespmem:$0x1FF40];
	_ =	sdelay $0x4  }
0x254: {  	v12 =	vor.u32 v7, v4;
	v7 =	vld [tilespmem:$0x1FD20]  }
0x255: {  	[tilespmem:v48+s16+$0x0] =	vst.idx.msk $0xffff, v8;
	v8 =	vld [tilespmem:$0x1FF50];
	_ =	sdelay $0x3  }
0x256: {  	v12 =	vld.idx.msk [tilespmem:v12+s14+$0x0], $0xffff;
	v7 =	vor.u32 v7, v6  }
0x257: {  	v8 =	vor.u32 v8, v4;
	_ =	sdelay $0x3  }
0x258: {  	[tilespmem:v7+s16+$0x0] =	vst.idx.msk $0xffff, v12  }
0x259: {  	v12 =	vor.u32 v50, v6;
	v8 =	vld.idx.msk [tilespmem:v8+s14+$0x0], $0xffff  }
0x25a: {  	v7 =	vor.u32 v44, v4;
	_ =	sdelay $0x3  }
0x25b: {  	[tilespmem:v12+s16+$0x0] =	vst.idx.msk $0xffff, v8  }
0x25c: {  	v5 =	vor.u32 v5, v6;
	v8 =	vld.idx.msk [tilespmem:v7+s14+$0x0], $0xffff  }
0x25d: {  	v12 =	vor.u32 v26, v4;
	_ =	sdelay $0x3  }
0x25e: {  	[tilespmem:v5+s16+$0x0] =	vst.idx.msk $0xffff, v8  }
0x25f: {  	v5 =	vor.u32 v20, v6;
	v7 =	vld.idx.msk [tilespmem:v12+s14+$0x0], $0xffff  }
0x260: {  	v8 =	vor.u32 v18, v2;
	_ =	sdelay $0x3  }
0x261: {  	[tilespmem:v5+s16+$0x0] =	vst.idx.msk $0xffff, v7  }
0x262: {  	v5 =	vor.u32 v23, v6;
	v8 =	vld.idx.msk [tilespmem:v8+s14+$0x0], $0xffff  }
0x263: {  	v7 =	vor.u32 v21, v2;
	_ =	sdelay $0x3  }
0x264: {  	[tilespmem:v5+s16+$0x0] =	vst.idx.msk $0xffff, v8  }
0x265: {  	v5 =	vor.u32 v3, v6;
	v8 =	vld.idx.msk [tilespmem:v7+s14+$0x0], $0xffff  }
0x266: {  	v7 =	vor.u32 v33, v2;
	_ =	sdelay $0x3  }
0x267: {  	[tilespmem:v5+s16+$0x0] =	vst.idx.msk $0xffff, v8  }
0x268: {  	v5 =	vor.u32 v13, v6;
	v3 =	vld.idx.msk [tilespmem:v7+s14+$0x0], $0xffff  }
0x269: {  	v7 =	vor.u32 v35, v2;
	_ =	sdelay $0x3  }
0x26a: {  	[tilespmem:v5+s16+$0x0] =	vst.idx.msk $0xffff, v3  }
0x26b: {  	v5 =	vor.u32 v25, v6;
	v3 =	vld.idx.msk [tilespmem:v7+s14+$0x0], $0xffff  }
0x26c: {  	v7 =	vor.u32 v14, v2;
	_ =	sdelay $0x3  }
0x26d: {  	[tilespmem:v5+s16+$0x0] =	vst.idx.msk $0xffff, v3  }
0x26e: {  	v5 =	vor.u32 v27, v6;
	v3 =	vld.idx.msk [tilespmem:v7+s14+$0x0], $0xffff  }
0x26f: {  	v7 =	vor.u32 v62, v2;
	_ =	sdelay $0x3  }
0x270: {  	[tilespmem:v5+s16+$0x0] =	vst.idx.msk $0xffff, v3  }
0x271: {  	v5 =	vor.u32 v29, v6;
	v3 =	vld.idx.msk [tilespmem:v7+s14+$0x0], $0xffff  }
0x272: {  	v7 =	vor.u32 v28, v2;
	_ =	sdelay $0x3  }
0x273: {  	[tilespmem:v5+s16+$0x0] =	vst.idx.msk $0xffff, v3  }
0x274: {  	v5 =	vor.u32 v31, v6;
	v3 =	vld.idx.msk [tilespmem:v7+s14+$0x0], $0xffff  }
0x275: {  	v7 =	vor.u32 v11, v2;
	_ =	sdelay $0x3  }
0x276: {  	[tilespmem:v5+s16+$0x0] =	vst.idx.msk $0xffff, v3  }
0x277: {  	v5 =	vor.u32 v22, v6;
	v3 =	vld.idx.msk [tilespmem:v7+s14+$0x0], $0xffff  }
0x278: {  	v7 =	vor.u32 v58, v4;
	_ =	sdelay $0x3  }
0x279: {  	[tilespmem:v5+s16+$0x0] =	vst.idx.msk $0xffff, v3  }
0x27a: {  	v5 =	vor.u32 v60, v6;
	v3 =	vld.idx.msk [tilespmem:v7+s14+$0x0], $0xffff  }
0x27b: {  	v7 =	vor.u32 v41, v4;
	_ =	sdelay $0x3  }
0x27c: {  	[tilespmem:v5+s16+$0x0] =	vst.idx.msk $0xffff, v3  }
0x27d: {  	v5 =	vor.u32 v39, v6;
	v3 =	vld.idx.msk [tilespmem:v7+s14+$0x0], $0xffff  }
0x27e: {  	v7 =	vor.u32 v43, v4;
	_ =	sdelay $0x3  }
0x27f: {  	[tilespmem:v5+s16+$0x0] =	vst.idx.msk $0xffff, v3  }
0x280: {  	v5 =	vor.u32 v56, v6;
	v3 =	vld.idx.msk [tilespmem:v7+s14+$0x0], $0xffff  }
0x281: {  	v7 =	vor.u32 v45, v4;
	_ =	sdelay $0x3  }
0x282: {  	[tilespmem:v5+s16+$0x0] =	vst.idx.msk $0xffff, v3  }
0x283: {  	v5 =	vor.u32 v32, v6;
	v3 =	vld.idx.msk [tilespmem:v7+s14+$0x0], $0xffff  }
0x284: {  	v7 =	vor.u32 v59, v4;
	_ =	sdelay $0x3  }
0x285: {  	[tilespmem:v5+s16+$0x0] =	vst.idx.msk $0xffff, v3  }
0x286: {  	v5 =	vor.u32 v54, v6;
	v3 =	vld.idx.msk [tilespmem:v7+s14+$0x0], $0xffff  }
0x287: {  	v7 =	vor.u32 v61, v4;
	_ =	sdelay $0x3  }
0x288: {  	[tilespmem:v5+s16+$0x0] =	vst.idx.msk $0xffff, v3  }
0x289: {  	v5 =	vor.u32 v47, v6;
	v3 =	vld.idx.msk [tilespmem:v7+s14+$0x0], $0xffff  }
0x28a: {  	v7 =	vor.u32 v55, v4;
	_ =	sdelay $0x3  }
0x28b: {  	[tilespmem:v5+s16+$0x0] =	vst.idx.msk $0xffff, v3  }
0x28c: {  	v5 =	vor.u32 v49, v6;
	v3 =	vld.idx.msk [tilespmem:v7+s14+$0x0], $0xffff  }
0x28d: {  	v4 =	vor.u32 v36, v4;
	_ =	sdelay $0x3  }
0x28e: {  	[tilespmem:v5+s16+$0x0] =	vst.idx.msk $0xffff, v3  }
0x28f: {  	v3 =	vld.idx.msk [tilespmem:v4+s14+$0x0], $0xffff;
	v4 =	vor.u32 v19, v6  }
0x290: {  	v5 =	vor.u32 v57, v2;
	_ =	sdelay $0x3  }
0x291: {  	[tilespmem:v4+s16+$0x0] =	vst.idx.msk $0xffff, v3  }
0x292: {  	v4 =	vor.u32 v53, v6;
	v3 =	vld.idx.msk [tilespmem:v5+s14+$0x0], $0xffff  }
0x293: {  	v5 =	vor.u32 v63, v2;
	_ =	sdelay $0x3  }
0x294: {  	[tilespmem:v4+s16+$0x0] =	vst.idx.msk $0xffff, v3  }
0x295: {  	v4 =	vor.u32 v9, v6;
	v3 =	vld.idx.msk [tilespmem:v5+s14+$0x0], $0xffff  }
0x296: {  	v5 =	vor.u32 v42, v2;
	_ =	sdelay $0x3  }
0x297: {  	[tilespmem:v4+s16+$0x0] =	vst.idx.msk $0xffff, v3  }
0x298: {  	v4 =	vor.u32 v46, v6;
	v3 =	vld.idx.msk [tilespmem:v5+s14+$0x0], $0xffff  }
0x299: {  	v5 =	vor.u32 v40, v2;
	_ =	sdelay $0x3  }
0x29a: {  	[tilespmem:v4+s16+$0x0] =	vst.idx.msk $0xffff, v3  }
0x29b: {  	v4 =	vor.u32 v38, v6;
	v3 =	vld.idx.msk [tilespmem:v5+s14+$0x0], $0xffff  }
0x29c: {  	v5 =	vor.u32 v51, v2  }
0x29d: {  	v23 =	vmov v21;
	v21 =	vld [tilespmem:$0x1FDC0]  }
0x29e: {  	v35 =	vld [tilespmem:$0x1FF40]  }
0x29f: {  	v25 =	vmov v23;
	v23 =	vld [tilespmem:$0x1FE10]  }
0x2a0: {  	v37 =	vmov v14;
	v14 =	vld [tilespmem:$0x1FD80];
	[tilespmem:v4+s16+$0x0] =	vst.idx.msk $0xffff, v3  }
0x2a1: {  	v4 =	vor.u32 v34, v6;
	v3 =	vld.idx.msk [tilespmem:v5+s14+$0x0], $0xffff  }
0x2a2: {  	v27 =	vld [tilespmem:$0x1FE20];
	v5 =	vor.u32 v30, v2  }
0x2a3: {  	v29 =	vld [tilespmem:$0x1FE30]  }
0x2a4: {  	v31 =	vld [tilespmem:$0x1FDE0]  }
0x2a5: {  	v48 =	vmov v62;
	v62 =	vmov v11;
	v11 =	vld [tilespmem:$0x1FE00]  }
0x2a6: {  	v13 =	vmov v58;
	v58 =	vld [tilespmem:$0x1FD90];
	[tilespmem:v4+s16+$0x0] =	vst.idx.msk $0xffff, v3  }
0x2a7: {  	v4 =	vor.u32 v15, v6;
	v3 =	vld.idx.msk [tilespmem:v5+s14+$0x0], $0xffff  }
0x2a8: {  	v60 =	vld [tilespmem:$0x1FDF0];
	v5 =	vor.u32 v16, v2  }
0x2a9: {  	v39 =	vld [tilespmem:$0x1FDD0]  }
0x2aa: {  	v50 =	vmov v43;
	v43 =	vmov v52;
	v52 =	vld [tilespmem:$0x1FF00]  }
0x2ab: {  	v56 =	vld [tilespmem:$0x1FED0]  }
0x2ac: {  	v18 =	vmov v59;
	v59 =	vld [tilespmem:$0x1FE50];
	[tilespmem:v4+s16+$0x0] =	vst.idx.msk $0xffff, v3  }
0x2ad: {  	v0 =	vor.u32 v0, v6;
	v3 =	vld.idx.msk [tilespmem:v5+s14+$0x0], $0xffff  }
0x2ae: {  	v20 =	vmov v61;
	v61 =	vld [tilespmem:$0x1FE80];
	v2 =	vor.u32 v24, v2  }
0x2af: {  	v47 =	vld [tilespmem:$0x1FEF0]  }
0x2b0: {  	v44 =	vmov v55;
	v55 =	vld [tilespmem:$0x1FEC0]  }
0x2b1: {  	v7 =	vld [tilespmem:$0x1FEA0]  }
0x2b2: {  	v49 =	vmov v57;
	v57 =	vld [tilespmem:$0x1FE60];
	[tilespmem:v0+s16+$0x0] =	vst.idx.msk $0xffff, v3  }
0x2b3: {  	v0 =	vor.u32 v1, v6;
	v1 =	vld.idx.msk [tilespmem:v2+s14+$0x0], $0xffff  }
0x2b4: {  	s21 =	sadd.s32 @!p0 $0x3, s21;
	v19 =	vld [tilespmem:$0x1FF30]  }
0x2b5: {  	s23 =	sshll.u32 @!p0 s21, $0x7;
	s24 =	sshll.u32 @!p0 s21, $0xA;
	v53 =	vld [tilespmem:$0x1FEE0]  }
0x2b6: {  	s21 =	sshll.u32 @!p0 s21, $0x5;
	s23 =	sand.u32 @!p0 $0x7000, s23;
	s24 =	sand.u32 @!p0 $0xC00, s24;
	v32 =	vmov v63;
	v63 =	vld [tilespmem:$0x1FFC0]  }
0x2b7: {  	s20 =	sadd.s32 $0x1, s20;
	s21 =	sand.u32 @!p0 $0x380, s21;
	s23 =	sor.u32 @!p0 s24, s23;
	v9 =	vld [tilespmem:$0x1FDB0]  }
0x2b8: {  	s24 =	simm.s32 @!p0 $0x7000;
	s21 =	sor.u32 @!p0 s21, s23;
	s23 =	simm.s32 @!p0 $0x80;
	v46 =	vmov v26;
	v26 =	vmov v17;
	v17 =	vld [tilespmem:$0x1FF20];
	[tilespmem:v0+s16+$0x0] =	vst.idx.msk $0xffff, v1  }
0x2b9: {  	v34 =	vld [tilespmem:$0x1FDA0];
	[tilespmem:s24], [sflag:$0x1] =	stream.indirect.gather @!p0 [hbm4b:s5+s23], $0x80, s21, s23, $0xb8  }
0x2ba: {  	v12 =	vmov v28;
	v28 =	vmov v36;
	v36 =	vmov v30;
	v30 =	vld [tilespmem:$0x1FE90];
	p0 =	sne.s32 s20, $0x28  }
.Ltmp2:
0x2bb: {  	v4 =	vld [tilespmem:$0x1FF50];
	(pc) =	sbr.rel @p0 .LBB2_2-.Ltmp2, $4  }
0x2bc: {  	v5 =	vmov v37;
	v37 =	vmov v48;
	v48 =	vld [tilespmem:$0x1FE40]  }
0x2bd: {  	v8 =	vlaneseq.u32;
	v3 =	vld [tilespmem:$0x1FFA0]  }
0x2be: {  	s31 =	sadd.s32 $0x80, s22;
	v22 =	vmovc v16;
	v38 =	vmovc v42;
	v15 =	vmov v36;
	v16 =	vmov v40;
	v6 =	vld [tilespmem:$0x1FE70];
	v0 =	vmov v33  }
0x2bf: {  	v2 =	vmovc v62;
	v62 =	vmovc v32;
	v1 =	vmov v12;
	v33 =	vmov v28;
	v12 =	vld [tilespmem:$0x1FF10];
	v32 =	vmov v0;
	[hbm4b:s31+s13] =	stream.strided.scatter [tilespmem:s17], [sflag:$0x2], $0x2000, s9, s13, $0x38  }
0x2c0: {  	s19 =	sadd.s32 $0x1, s19  }
0x2c1: {  	_ =	swait.ge [sflag:s18], $0x2000;
	p0 =	sne.s32 s19, s7  }
.Ltmp3:
0x2c2: {  	[sflag:s18] =	ssyncset.done $0x0;
	(pc) =	sbr.rel @p0 .LBB2_1-.Ltmp3, $4  }
0x2c3: {  	[sflag:s18] =	ssyncadd.s32 $0xFFFFE000  }
0x2c4: {  	_ =	swait.ge [sflag:s18], $0x2000  }
0x2c5: {  	[sflag:s18] =	ssyncset.done $0x0  }
0x2c6: {  	[sflag:s18] =	ssyncadd.s32 $0xFFFFE000  }
0x2c7: {  	_ =	sfence.sel $0x180000  }
0x2c8: {  	[bflag:$0x0] =	sbarrier.arrive $0xFFFF  }
0x2c9: {  	p0 =	sne.s32 s3, $0x0;
	_ =	strace $0x90000047  }
0x2ca: {  	s0 =	sadd.s32 @!p0 $0x100000, s0;
	[bflag:$0x2] =	sbarrier.arrive $0xFFFF  }
0x2cb: {  	[sflag:s0] =	ssyncadd.tile.s32 @!p0 $0x1;
	_ =	shalt  }
.Lfunc_end2:
_tile_overlayer_lowered:
.L_overlay_start_2:
0x2cc: {  	(tag) =	ssettag $0x2  }
0x2cd: {  	s0 =	rddreg [dreg:$0x0];
	s2 =	stileid.u32  }
0x2ce: {  	s1 =	rddreg [dreg:$0x1];
	p0 =	sne.s32 s2, $0x0  }
0x2cf: {  	s3 =	rddreg [dreg:$0x2];
	[bflag:$0x3] =	sbarrier.arrive $0xFFFF;
	s2 =	simm.s32 @!p0 $0x1C03  }
0x2d0: {  	[timem:s3], [sflag:s2] =	dma.local @!p0 [hbm:s0], s1  }
0x2d1: {  	s0 =	simm.s32 @!p0 $0x3  }
0x2d2: {  	_ =	swait.ge @!p0 [sflag:s0], s1  }
0x2d3: {  	s1 =	ssub.s32 @!p0 $0x0, s1;
	[sflag:s0] =	ssyncset.done @!p0 $0x0  }
0x2d4: {  	[sflag:s0] =	ssyncadd.s32 @!p0 s1  }
0x2d5: {  	[bflag:$0x3] =	sbarrier.arrive $0xFFFF  }
0x2d6: {  	_ =	shalt  }

</sc_bundles>
